<compile_context>
chip_gen: v7x
topology: tpu7x:2x2x1
jax: 0.10.2.dev20260603
libtpu: 0.0.44.dev20260713+nightly
codegen_flags: <defaults>
</compile_context>

<pallas_src>
import functools

import jax
import jax.numpy as jnp
from jax import lax
from jax.experimental import pallas as pl
from jax.experimental.pallas import tpu as pltpu
from jax.experimental.pallas import tpu_sc as plsc

_CHUNK = 112
_BN = 32768


def _project_tables(wt0, wt1, wt2, w1, b1_2d, w2, b2_2d, V, D, H, L):
    grid = pl.cdiv(V, _BN)

    def body(t0_ref, t1_ref, t2_ref, w1_ref, b1_ref, w2_ref, b2_ref,
             pb_ref, c0_ref):
        wc = jnp.dot(w1_ref[...], w2_ref[...],
                     preferred_element_type=jnp.float32)
        dn = (((0,), (0,)), ((), ()))
        acc = lax.dot_general(wc[0:D], t0_ref[...], dn,
                              preferred_element_type=jnp.float32)
        acc += lax.dot_general(wc[D:2 * D], t1_ref[...], dn,
                               preferred_element_type=jnp.float32)
        acc += lax.dot_general(wc[2 * D:3 * D], t2_ref[...], dn,
                               preferred_element_type=jnp.float32)
        lo = lax.bitcast_convert_type(
            acc[0].astype(jnp.bfloat16), jnp.uint16).astype(jnp.int32)
        hi = lax.bitcast_convert_type(
            acc[1].astype(jnp.bfloat16), jnp.uint16).astype(jnp.int32)
        pb_ref[...] = (hi << 16) | lo

        @pl.when(pl.program_id(0) == 0)
        def _():
            c0_ref[...] = (jnp.dot(b1_ref[...], w2_ref[...],
                                   preferred_element_type=jnp.float32)
                           + b2_ref[...])

    return pl.pallas_call(
        body,
        grid=(grid,),
        in_specs=[
            pl.BlockSpec((D, _BN), lambda j: (0, j)),
            pl.BlockSpec((D, _BN), lambda j: (0, j)),
            pl.BlockSpec((D, _BN), lambda j: (0, j)),
            pl.BlockSpec((3 * D, H), lambda j: (0, 0)),
            pl.BlockSpec((1, H), lambda j: (0, 0)),
            pl.BlockSpec((H, L), lambda j: (0, 0)),
            pl.BlockSpec((1, L), lambda j: (0, 0)),
        ],
        out_specs=[
            pl.BlockSpec((_BN,), lambda j: (j,)),
            pl.BlockSpec((1, L), lambda j: (0, 0)),
        ],
        out_shape=[
            jax.ShapeDtypeStruct((V,), jnp.int32),
            jax.ShapeDtypeStruct((1, L), jnp.float32),
        ],
    )(wt0, wt1, wt2, w1, b1_2d, w2, b2_2d)


def _sc_pool(pb, xi, B, n_chunks, V):
    info = plsc.get_sparse_core_info()
    NC, NS = info.num_cores, info.num_subcores
    V2 = V // NC
    rows = B // NS
    stage = (V2 // NS) & ~7
    tail = V2 - NS * stage

    mesh = plsc.VectorSubcoreMesh(core_axis_name="c", subcore_axis_name="s")

    @functools.partial(
        pl.kernel,
        out_type=jax.ShapeDtypeStruct((NC, B, 32), jnp.float32),
        mesh=mesh,
        scratch_types=[
            pltpu.VMEM((rows, n_chunks, _CHUNK), jnp.int32),
            pltpu.VMEM((rows, n_chunks, _CHUNK), jnp.int32),
            pltpu.VMEM((rows, 32), jnp.float32),
            pltpu.VMEM_SHARED((V2 + 8,), jnp.int32),
            pltpu.VMEM((stage,), jnp.int32),
            pltpu.SemaphoreType.DMA,
        ],
    )
    def pool(pb_hbm, xi_hbm, out_hbm, idx_v, buf, out_v, psh, tbuf, sem):
        cid = lax.axis_index("c")
        sid = lax.axis_index("s")
        pltpu.sync_copy(xi_hbm.at[pl.ds(sid * rows, rows)], idx_v)

        pltpu.sync_copy(pb_hbm.at[pl.ds(cid * V2 + sid * stage, stage)], tbuf)
        pltpu.sync_copy(tbuf, psh.at[pl.ds(sid * stage, stage)])
        if tail:
            @pl.when(sid == NS - 1)
            def _():
                pltpu.sync_copy(
                    pb_hbm.at[pl.ds(cid * V2 + NS * stage, tail)],
                    tbuf.at[pl.ds(0, tail)])
                pltpu.sync_copy(tbuf.at[pl.ds(0, tail)],
                                psh.at[pl.ds(NS * stage, tail)])

        @pl.when(sid == 0)
        def _():
            tbuf[pl.ds(0, 16)] = jnp.zeros((16,), jnp.int32)
            pltpu.sync_copy(tbuf.at[pl.ds(0, 8)], psh.at[pl.ds(V2, 8)])

        coff = cid * V2

        def localize(r, _):
            for c in range(n_chunks):
                for j in range(_CHUNK // 16):
                    v = idx_v[r, c, pl.ds(16 * j, 16)]
                    loc = v - coff
                    inb = (loc >= 0) & (loc < V2)
                    idx_v[r, c, pl.ds(16 * j, 16)] = jnp.where(inb, loc, V2)
            return _

        lax.fori_loop(0, rows, localize, 0)
        plsc.subcore_barrier()

        def fire(r, _):
            for c in range(n_chunks):
                pltpu.async_copy(psh.at[idx_v.at[r, c]], buf.at[r, c], sem)
            return _

        def drain(r, _):
            for c in range(n_chunks):
                pltpu.make_async_copy(
                    psh.at[idx_v.at[r, c]], buf.at[r, c], sem).wait()
            return _

        def reduce(r, _):
            acc0 = jnp.zeros((16,), jnp.float32)
            acc1 = jnp.zeros((16,), jnp.float32)
            hi_mask = jnp.full((16,), -65536, jnp.int32)
            for c in range(n_chunks):
                for j in range(_CHUNK // 16):
                    w = buf[r, c, pl.ds(16 * j, 16)]
                    a = lax.bitcast_convert_type(lax.shift_left(w, 16), jnp.float32)
                    b = lax.bitcast_convert_type(w & hi_mask, jnp.float32)
                    acc0 = acc0 + a
                    acc1 = acc1 + b
            out_v[r, pl.ds(0, 16)] = acc0
            out_v[r, pl.ds(16, 16)] = acc1
            return _

        lax.fori_loop(0, rows, fire, 0)
        lax.fori_loop(0, rows, drain, 0)
        lax.fori_loop(0, rows, reduce, 0)
        pltpu.sync_copy(out_v, out_hbm.at[cid, pl.ds(sid * rows, rows)])

    return pool(pb, xi)


def kernel(x, w_word, w_bigram, w_trigram, w1, b1, w2, b2):
    B, S = x.shape
    V, D = w_word.shape
    H = w1.shape[1]
    L = w2.shape[1]
    PAD = V - 1

    pb, c0 = _project_tables(
        w_word.T, w_bigram.T, w_trigram.T,
        w1, b1.reshape(1, H), w2, b2.reshape(1, L), V, D, H, L)

    S_pad = ((S + _CHUNK - 1) // _CHUNK) * _CHUNK
    n_chunks = S_pad // _CHUNK
    xi = jnp.pad(x, ((0, 0), (0, S_pad - S)), constant_values=PAD)
    xi = xi.reshape(B, n_chunks, _CHUNK)

    pooled = _sc_pool(pb, xi, B, n_chunks, V)

    inv_s = 1.0 / S

    def fin_body(p_ref, c0_ref, o_ref):
        rows = lax.broadcasted_iota(jnp.int32, (32, L), 0)
        cols = lax.broadcasted_iota(jnp.int32, (32, L), 1)
        sel = jnp.where(rows // 16 == cols, 1.0, 0.0)
        pooled = p_ref[0] + p_ref[1]
        o = jnp.dot(pooled, sel, preferred_element_type=jnp.float32)
        o_ref[...] = jnp.maximum(o * inv_s + c0_ref[...], 0.0)

    return pl.pallas_call(
        fin_body,
        out_shape=jax.ShapeDtypeStruct((B, L), jnp.float32),
    )(pooled, c0)

# --- scband reference (transcript-rebuilt; emitter-appended) ---
"""Pipeline reference for scband-fast-text-20435454394430 (READ-ONLY COPY).

The authoritative reference and input builder live on the scoring server;
editing this copy changes nothing except your own understanding.
"""

import jax, jax.numpy as jnp
import numpy as np

V = 1000000   # ngram_vocabulary_size (also used for the word vocab)
D = 32        # embedding_dim
H = 256       # hidden_size
B = 1024      # batch
S = 200       # seq_len
L = 2         # labels_num (multilabel == False)
PAD = V - 1


def setup_inputs(seed: int = 0) -> dict:
    key = jax.random.key(seed)
    ks = jax.random.split(key, 9)
    x = jax.random.randint(ks[0], (B, S), 0, V, dtype=jnp.int32)
    w_word = (jax.random.normal(ks[1], (V, D), dtype=jnp.float32) * 0.02).at[PAD].set(0.0)
    w_bigram = (jax.random.normal(ks[2], (V, D), dtype=jnp.float32) * 0.02).at[PAD].set(0.0)
    w_trigram = (jax.random.normal(ks[3], (V, D), dtype=jnp.float32) * 0.02).at[PAD].set(0.0)
    w1 = jax.random.normal(ks[4], (3 * D, H), dtype=jnp.float32) * (1.0 / np.sqrt(3 * D))
    b1 = jnp.zeros((H,), dtype=jnp.float32)
    w2 = jax.random.normal(ks[5], (H, L), dtype=jnp.float32) * (1.0 / np.sqrt(H))
    b2 = jnp.zeros((L,), dtype=jnp.float32)
    return {"x": x, "w_word": w_word, "w_bigram": w_bigram, "w_trigram": w_trigram,
            "w1": w1, "b1": b1, "w2": w2, "b2": b2}


def reference(x, w_word, w_bigram, w_trigram, w1, b1, w2, b2):
    # three embedding lookups (gather)
    embed_bow = jnp.take(w_word, x, axis=0)        # [B, S, D]
    embed_bigram = jnp.take(w_bigram, x, axis=0)   # [B, S, D]
    embed_trigram = jnp.take(w_trigram, x, axis=0) # [B, S, D]
    logits = jnp.concatenate((embed_bow, embed_bigram, embed_trigram), axis=-1)  # [B, S, 3D]
    logits = jnp.mean(logits, axis=1)              # [B, 3D]
    # dropout is identity in eval mode
    logits = logits @ w1 + b1                      # fc1
    logits = logits @ w2 + b2                      # fc2
    logits = jax.nn.relu(logits)
    # multilabel == False -> return logits (no sigmoid)
    return logits

if __name__ == "__main__":
    import jax
    _d = setup_inputs()
    print(jax.jit(kernel)(*tuple(_d.values())))

</pallas_src>

<mosaic_0001>
#map = affine_map<(d0, d1) -> (0)>
#map1 = affine_map<(d0, d1) -> (0, 0, 0)>
module attributes {stable_mosaic.version = 14 : i64} {
  func.func @pool(%arg0: i32, %arg1: i32, %arg2: memref<1000000xi32, #tpu.memory_space<hbm>>, %arg3: memref<1024x2x112xi32, #tpu.memory_space<hbm>>, %arg4: memref<2x1024x32xf32, #tpu.memory_space<hbm>>, %arg5: memref<64x2x112xi32, #tpu.memory_space<vmem>>, %arg6: memref<64x2x112xi32, #tpu.memory_space<vmem>>, %arg7: memref<64x32xf32, #tpu.memory_space<vmem>>, %arg8: memref<500008xi32, #tpu.memory_space<vmem_shared>>, %arg9: memref<31248xi32, #tpu.memory_space<vmem>>, %arg10: memref<!tpu.dma_semaphore, #tpu.memory_space<semaphore_mem>>) attributes {dimension_semantics = [#tpu.dimension_semantics<core_parallel>, #tpu.dimension_semantics<subcore_parallel>], iteration_bounds = array<i64: 2, 16>, scalar_prefetch = 0 : i64, scratch_operands = 6 : i64, tpu.core_type = #tpu.core_type<sc_vector_subcore>, window_params = [{transform_indices = #map}, {transform_indices = #map1}, {transform_indices = #map1}]} {
    %mul3A = arith.constant 64 : i32
    %mul3A_0 = arith.muli %arg1, %mul3A : i32
    "tpu.region"() ({
      %run_scoped3A = tpu.sem_alloc : memref<!tpu.dma_semaphore, #tpu.memory_space<semaphore_mem>>
      %dma_start3A = arith.constant 0 : i32
      %dma_start3A_41 = arith.constant 0 : i32
      %dma_start3A_42 = tpu.memref_slice %arg3[%mul3A_0, %dma_start3A, %dma_start3A_41] : memref<1024x2x112xi32, #tpu.memory_space<hbm>> -> memref<64x2x112xi32, #tpu.memory_space<hbm>>
      %dma_start3A_43 = arith.constant 0 : i32
      %dma_start3A_44 = arith.constant 0 : i32
      %dma_start3A_45 = tpu.memref_slice %arg3[%mul3A_0, %dma_start3A_43, %dma_start3A_44] : memref<1024x2x112xi32, #tpu.memory_space<hbm>> -> memref<64x2x112xi32, #tpu.memory_space<hbm>>
      tpu.enqueue_dma source(%dma_start3A_45 : memref<64x2x112xi32, #tpu.memory_space<hbm>>) target(%arg5 : memref<64x2x112xi32, #tpu.memory_space<vmem>>) target_semaphore(%run_scoped3A : memref<!tpu.dma_semaphore, #tpu.memory_space<semaphore_mem>>)
      %dma_wait3A = arith.constant 0 : i32
      %dma_wait3A_46 = arith.constant 0 : i32
      %dma_wait3A_47 = tpu.memref_slice %arg3[%mul3A_0, %dma_wait3A, %dma_wait3A_46] : memref<1024x2x112xi32, #tpu.memory_space<hbm>> -> memref<64x2x112xi32, #tpu.memory_space<hbm>>
      %dma_wait3A_48 = arith.constant 0 : i32
      %dma_wait3A_49 = arith.constant 0 : i32
      %dma_wait3A_50 = tpu.memref_slice %arg3[%mul3A_0, %dma_wait3A_48, %dma_wait3A_49] : memref<1024x2x112xi32, #tpu.memory_space<hbm>> -> memref<64x2x112xi32, #tpu.memory_space<hbm>>
      tpu.wait_dma2 semaphore(%run_scoped3A : memref<!tpu.dma_semaphore, #tpu.memory_space<semaphore_mem>>) src(%dma_wait3A_50 : memref<64x2x112xi32, #tpu.memory_space<hbm>>) dst(%arg5 : memref<64x2x112xi32, #tpu.memory_space<vmem>>)
      tpu.yield
    }) : () -> ()
    %mul3A_1 = arith.constant 500000 : i32
    %mul3A_2 = arith.muli %arg0, %mul3A_1 : i32
    %mul3A_3 = arith.constant 31248 : i32
    %mul3A_4 = arith.muli %arg1, %mul3A_3 : i32
    %add3A = arith.addi %mul3A_2, %mul3A_4 : i32
    "tpu.region"() ({
      %run_scoped3A = tpu.sem_alloc : memref<!tpu.dma_semaphore, #tpu.memory_space<semaphore_mem>>
      %dma_start3A = tpu.memref_slice %arg2[%add3A] : memref<1000000xi32, #tpu.memory_space<hbm>> -> memref<31248xi32, #tpu.memory_space<hbm>>
      %dma_start3A_41 = tpu.memref_slice %arg2[%add3A] : memref<1000000xi32, #tpu.memory_space<hbm>> -> memref<31248xi32, #tpu.memory_space<hbm>>
      tpu.enqueue_dma source(%dma_start3A_41 : memref<31248xi32, #tpu.memory_space<hbm>>) target(%arg9 : memref<31248xi32, #tpu.memory_space<vmem>>) target_semaphore(%run_scoped3A : memref<!tpu.dma_semaphore, #tpu.memory_space<semaphore_mem>>)
      %dma_wait3A = tpu.memref_slice %arg2[%add3A] : memref<1000000xi32, #tpu.memory_space<hbm>> -> memref<31248xi32, #tpu.memory_space<hbm>>
      %dma_wait3A_42 = tpu.memref_slice %arg2[%add3A] : memref<1000000xi32, #tpu.memory_space<hbm>> -> memref<31248xi32, #tpu.memory_space<hbm>>
      tpu.wait_dma2 semaphore(%run_scoped3A : memref<!tpu.dma_semaphore, #tpu.memory_space<semaphore_mem>>) src(%dma_wait3A_42 : memref<31248xi32, #tpu.memory_space<hbm>>) dst(%arg9 : memref<31248xi32, #tpu.memory_space<vmem>>)
      tpu.yield
    }) : () -> ()
    %mul3A_5 = arith.constant 31248 : i32
    %mul3A_6 = arith.muli %arg1, %mul3A_5 : i32
    "tpu.region"() ({
      %run_scoped3A = tpu.sem_alloc : memref<!tpu.dma_semaphore, #tpu.memory_space<semaphore_mem>>
      %dma_start3A = tpu.memref_slice %arg8[%mul3A_6] : memref<500008xi32, #tpu.memory_space<vmem_shared>> -> memref<31248xi32, #tpu.memory_space<vmem_shared>>
      %dma_start3A_41 = tpu.memref_slice %arg8[%mul3A_6] : memref<500008xi32, #tpu.memory_space<vmem_shared>> -> memref<31248xi32, #tpu.memory_space<vmem_shared>>
      tpu.enqueue_dma source(%arg9 : memref<31248xi32, #tpu.memory_space<vmem>>) target(%dma_start3A_41 : memref<31248xi32, #tpu.memory_space<vmem_shared>>) target_semaphore(%run_scoped3A : memref<!tpu.dma_semaphore, #tpu.memory_space<semaphore_mem>>)
      %dma_wait3A = tpu.memref_slice %arg8[%mul3A_6] : memref<500008xi32, #tpu.memory_space<vmem_shared>> -> memref<31248xi32, #tpu.memory_space<vmem_shared>>
      %dma_wait3A_42 = tpu.memref_slice %arg8[%mul3A_6] : memref<500008xi32, #tpu.memory_space<vmem_shared>> -> memref<31248xi32, #tpu.memory_space<vmem_shared>>
      tpu.wait_dma2 semaphore(%run_scoped3A : memref<!tpu.dma_semaphore, #tpu.memory_space<semaphore_mem>>) src(%arg9 : memref<31248xi32, #tpu.memory_space<vmem>>) dst(%dma_wait3A_42 : memref<31248xi32, #tpu.memory_space<vmem_shared>>)
      tpu.yield
    }) : () -> ()
    %eq3A = arith.constant 15 : i32
    %eq3A_7 = arith.cmpi eq, %arg1, %eq3A : i32
    %convert_element_type3A = arith.extui %eq3A_7 : i1 to i32
    %cond3A = arith.constant 0 : i32
    %cond3A_8 = arith.cmpi ne, %convert_element_type3A, %cond3A : i32
    scf.if %cond3A_8 {
      %mul3A_41 = arith.constant 500000 : i32
      %mul3A_42 = arith.muli %arg0, %mul3A_41 : i32
      %add3A_43 = arith.constant 499968 : i32
      %add3A_44 = arith.addi %mul3A_42, %add3A_43 : i32
      "tpu.region"() ({
        %run_scoped3A = tpu.sem_alloc : memref<!tpu.dma_semaphore, #tpu.memory_space<semaphore_mem>>
        %dma_start3A = arith.constant 0 : i32
        %dma_start3A_45 = tpu.memref_slice %arg9[%dma_start3A] : memref<31248xi32, #tpu.memory_space<vmem>> -> memref<32xi32, #tpu.memory_space<vmem>>
        %dma_start3A_46 = tpu.memref_slice %arg2[%add3A_44] : memref<1000000xi32, #tpu.memory_space<hbm>> -> memref<32xi32, #tpu.memory_space<hbm>>
        %dma_start3A_47 = arith.constant 0 : i32
        %dma_start3A_48 = tpu.memref_slice %arg9[%dma_start3A_47] : memref<31248xi32, #tpu.memory_space<vmem>> -> memref<32xi32, #tpu.memory_space<vmem>>
        %dma_start3A_49 = tpu.memref_slice %arg2[%add3A_44] : memref<1000000xi32, #tpu.memory_space<hbm>> -> memref<32xi32, #tpu.memory_space<hbm>>
        tpu.enqueue_dma source(%dma_start3A_49 : memref<32xi32, #tpu.memory_space<hbm>>) target(%dma_start3A_48 : memref<32xi32, #tpu.memory_space<vmem>>) target_semaphore(%run_scoped3A : memref<!tpu.dma_semaphore, #tpu.memory_space<semaphore_mem>>)
        %dma_wait3A = arith.constant 0 : i32
        %dma_wait3A_50 = tpu.memref_slice %arg9[%dma_wait3A] : memref<31248xi32, #tpu.memory_space<vmem>> -> memref<32xi32, #tpu.memory_space<vmem>>
        %dma_wait3A_51 = tpu.memref_slice %arg2[%add3A_44] : memref<1000000xi32, #tpu.memory_space<hbm>> -> memref<32xi32, #tpu.memory_space<hbm>>
        %dma_wait3A_52 = arith.constant 0 : i32
        %dma_wait3A_53 = tpu.memref_slice %arg9[%dma_wait3A_52] : memref<31248xi32, #tpu.memory_space<vmem>> -> memref<32xi32, #tpu.memory_space<vmem>>
        %dma_wait3A_54 = tpu.memref_slice %arg2[%add3A_44] : memref<1000000xi32, #tpu.memory_space<hbm>> -> memref<32xi32, #tpu.memory_space<hbm>>
        tpu.wait_dma2 semaphore(%run_scoped3A : memref<!tpu.dma_semaphore, #tpu.memory_space<semaphore_mem>>) src(%dma_wait3A_54 : memref<32xi32, #tpu.memory_space<hbm>>) dst(%dma_wait3A_53 : memref<32xi32, #tpu.memory_space<vmem>>)
        tpu.yield
      }) : () -> ()
      "tpu.region"() ({
        %run_scoped3A = tpu.sem_alloc : memref<!tpu.dma_semaphore, #tpu.memory_space<semaphore_mem>>
        %dma_start3A = arith.constant 0 : i32
        %dma_start3A_45 = tpu.memref_slice %arg9[%dma_start3A] : memref<31248xi32, #tpu.memory_space<vmem>> -> memref<32xi32, #tpu.memory_space<vmem>>
        %dma_start3A_46 = arith.constant 499968 : i32
        %dma_start3A_47 = tpu.memref_slice %arg8[%dma_start3A_46] : memref<500008xi32, #tpu.memory_space<vmem_shared>> -> memref<32xi32, #tpu.memory_space<vmem_shared>>
        %dma_start3A_48 = arith.constant 499968 : i32
        %dma_start3A_49 = tpu.memref_slice %arg8[%dma_start3A_48] : memref<500008xi32, #tpu.memory_space<vmem_shared>> -> memref<32xi32, #tpu.memory_space<vmem_shared>>
        %dma_start3A_50 = arith.constant 0 : i32
        %dma_start3A_51 = tpu.memref_slice %arg9[%dma_start3A_50] : memref<31248xi32, #tpu.memory_space<vmem>> -> memref<32xi32, #tpu.memory_space<vmem>>
        tpu.enqueue_dma source(%dma_start3A_51 : memref<32xi32, #tpu.memory_space<vmem>>) target(%dma_start3A_49 : memref<32xi32, #tpu.memory_space<vmem_shared>>) target_semaphore(%run_scoped3A : memref<!tpu.dma_semaphore, #tpu.memory_space<semaphore_mem>>)
        %dma_wait3A = arith.constant 0 : i32
        %dma_wait3A_52 = tpu.memref_slice %arg9[%dma_wait3A] : memref<31248xi32, #tpu.memory_space<vmem>> -> memref<32xi32, #tpu.memory_space<vmem>>
        %dma_wait3A_53 = arith.constant 499968 : i32
        %dma_wait3A_54 = tpu.memref_slice %arg8[%dma_wait3A_53] : memref<500008xi32, #tpu.memory_space<vmem_shared>> -> memref<32xi32, #tpu.memory_space<vmem_shared>>
        %dma_wait3A_55 = arith.constant 499968 : i32
        %dma_wait3A_56 = tpu.memref_slice %arg8[%dma_wait3A_55] : memref<500008xi32, #tpu.memory_space<vmem_shared>> -> memref<32xi32, #tpu.memory_space<vmem_shared>>
        %dma_wait3A_57 = arith.constant 0 : i32
        %dma_wait3A_58 = tpu.memref_slice %arg9[%dma_wait3A_57] : memref<31248xi32, #tpu.memory_space<vmem>> -> memref<32xi32, #tpu.memory_space<vmem>>
        tpu.wait_dma2 semaphore(%run_scoped3A : memref<!tpu.dma_semaphore, #tpu.memory_space<semaphore_mem>>) src(%dma_wait3A_58 : memref<32xi32, #tpu.memory_space<vmem>>) dst(%dma_wait3A_56 : memref<32xi32, #tpu.memory_space<vmem_shared>>)
        tpu.yield
      }) : () -> ()
    } else {
    }
    %eq3A_9 = arith.constant 0 : i32
    %eq3A_10 = arith.cmpi eq, %arg1, %eq3A_9 : i32
    %convert_element_type3A_11 = arith.extui %eq3A_10 : i1 to i32
    %cond3A_12 = arith.constant 0 : i32
    %cond3A_13 = arith.cmpi ne, %convert_element_type3A_11, %cond3A_12 : i32
    scf.if %cond3A_13 {
      %broadcast_in_dim3A = arith.constant 0 : i32
      %broadcast_in_dim3A_41 = vector.broadcast %broadcast_in_dim3A : i32 to vector<16xi32>
      %swap3A = arith.constant 0 : index
      %swap3A_42 = tpu.vector_load %arg9[%swap3A] {strides = array<i32>} : memref<31248xi32, #tpu.memory_space<vmem>>, vector<16xi32>,
      %swap3A_43 = vector.shape_cast %swap3A_42 : vector<16xi32> to vector<16xi32>
      %swap3A_44 = vector.shape_cast %broadcast_in_dim3A_41 : vector<16xi32> to vector<16xi32>
      tpu.vector_store %arg9[%swap3A], %swap3A_44 {strides = array<i32>} : memref<31248xi32, #tpu.memory_space<vmem>>, vector<16xi32>,
      "tpu.region"() ({
        %run_scoped3A = tpu.sem_alloc : memref<!tpu.dma_semaphore, #tpu.memory_space<semaphore_mem>>
        %dma_start3A = arith.constant 0 : i32
        %dma_start3A_45 = tpu.memref_slice %arg9[%dma_start3A] : memref<31248xi32, #tpu.memory_space<vmem>> -> memref<8xi32, #tpu.memory_space<vmem>>
        %dma_start3A_46 = arith.constant 500000 : i32
        %dma_start3A_47 = tpu.memref_slice %arg8[%dma_start3A_46] : memref<500008xi32, #tpu.memory_space<vmem_shared>> -> memref<8xi32, #tpu.memory_space<vmem_shared>>
        %dma_start3A_48 = arith.constant 500000 : i32
        %dma_start3A_49 = tpu.memref_slice %arg8[%dma_start3A_48] : memref<500008xi32, #tpu.memory_space<vmem_shared>> -> memref<8xi32, #tpu.memory_space<vmem_shared>>
        %dma_start3A_50 = arith.constant 0 : i32
        %dma_start3A_51 = tpu.memref_slice %arg9[%dma_start3A_50] : memref<31248xi32, #tpu.memory_space<vmem>> -> memref<8xi32, #tpu.memory_space<vmem>>
        tpu.enqueue_dma source(%dma_start3A_51 : memref<8xi32, #tpu.memory_space<vmem>>) target(%dma_start3A_49 : memref<8xi32, #tpu.memory_space<vmem_shared>>) target_semaphore(%run_scoped3A : memref<!tpu.dma_semaphore, #tpu.memory_space<semaphore_mem>>)
        %dma_wait3A = arith.constant 0 : i32
        %dma_wait3A_52 = tpu.memref_slice %arg9[%dma_wait3A] : memref<31248xi32, #tpu.memory_space<vmem>> -> memref<8xi32, #tpu.memory_space<vmem>>
        %dma_wait3A_53 = arith.constant 500000 : i32
        %dma_wait3A_54 = tpu.memref_slice %arg8[%dma_wait3A_53] : memref<500008xi32, #tpu.memory_space<vmem_shared>> -> memref<8xi32, #tpu.memory_space<vmem_shared>>
        %dma_wait3A_55 = arith.constant 500000 : i32
        %dma_wait3A_56 = tpu.memref_slice %arg8[%dma_wait3A_55] : memref<500008xi32, #tpu.memory_space<vmem_shared>> -> memref<8xi32, #tpu.memory_space<vmem_shared>>
        %dma_wait3A_57 = arith.constant 0 : i32
        %dma_wait3A_58 = tpu.memref_slice %arg9[%dma_wait3A_57] : memref<31248xi32, #tpu.memory_space<vmem>> -> memref<8xi32, #tpu.memory_space<vmem>>
        tpu.wait_dma2 semaphore(%run_scoped3A : memref<!tpu.dma_semaphore, #tpu.memory_space<semaphore_mem>>) src(%dma_wait3A_58 : memref<8xi32, #tpu.memory_space<vmem>>) dst(%dma_wait3A_56 : memref<8xi32, #tpu.memory_space<vmem_shared>>)
        tpu.yield
      }) : () -> ()
    } else {
    }
    %mul3A_14 = arith.constant 500000 : i32
    %mul3A_15 = arith.muli %arg0, %mul3A_14 : i32
    %scan3A = arith.constant 0 : i32
    %scan3A_16 = arith.constant 0 : i32
    %scan3A_17 = arith.constant 64 : i32
    %scan3A_18 = arith.addi %scan3A_16, %scan3A_17 : i32
    %scan3A_19 = arith.constant 1 : i32
    scf.for %scan3A_41 = %scan3A_16 to %scan3A_18 step %scan3A_19  : i32 {
      %get3A = arith.constant 0 : i32
      %get3A_42 = arith.index_cast %scan3A_41 : i32 to index
      %get3A_43 = arith.index_cast %get3A : i32 to index
      %get3A_44 = arith.constant 0 : index
      %get3A_45 = tpu.vector_load %arg5[%get3A_42, %get3A_43, %get3A_44] {strides = array<i32>} : memref<64x2x112xi32, #tpu.memory_space<vmem>>, vector<1x1x16xi32>,
      %get3A_46 = vector.shape_cast %get3A_45 : vector<1x1x16xi32> to vector<16xi32>
      %sub3A = vector.broadcast %mul3A_15 : i32 to vector<16xi32>
      %sub3A_47 = arith.subi %get3A_46, %sub3A : vector<16xi32>
      %ge3A = arith.constant 0 : i32
      %ge3A_48 = vector.broadcast %ge3A : i32 to vector<16xi32>
      %ge3A_49 = arith.cmpi sge, %sub3A_47, %ge3A_48 : vector<16xi32>
      %lt3A = arith.constant 500000 : i32
      %lt3A_50 = vector.broadcast %lt3A : i32 to vector<16xi32>
      %lt3A_51 = arith.cmpi slt, %sub3A_47, %lt3A_50 : vector<16xi32>
      %and3A = arith.andi %ge3A_49, %lt3A_51 : vector<16xi1>
      %jit3A = arith.constant 500000 : i32
      %broadcast_in_dim3A = vector.broadcast %jit3A : i32 to vector<16xi32>
      %select_n3A = arith.select %and3A, %sub3A_47, %broadcast_in_dim3A : vector<16xi1>, vector<16xi32>
      %swap3A = arith.constant 0 : i32
      %swap3A_52 = arith.index_cast %scan3A_41 : i32 to index
      %swap3A_53 = arith.index_cast %swap3A : i32 to index
      %swap3A_54 = arith.constant 0 : index
      %swap3A_55 = tpu.vector_load %arg5[%swap3A_52, %swap3A_53, %swap3A_54] {strides = array<i32>} : memref<64x2x112xi32, #tpu.memory_space<vmem>>, vector<1x1x16xi32>,
      %swap3A_56 = vector.shape_cast %swap3A_55 : vector<1x1x16xi32> to vector<16xi32>
      %swap3A_57 = vector.shape_cast %select_n3A : vector<16xi32> to vector<1x1x16xi32>
      tpu.vector_store %arg5[%swap3A_52, %swap3A_53, %swap3A_54], %swap3A_57 {strides = array<i32>} : memref<64x2x112xi32, #tpu.memory_space<vmem>>, vector<1x1x16xi32>,
      %get3A_58 = arith.constant 0 : i32
      %get3A_59 = arith.index_cast %scan3A_41 : i32 to index
      %get3A_60 = arith.index_cast %get3A_58 : i32 to index
      %get3A_61 = arith.constant 16 : index
      %get3A_62 = tpu.vector_load %arg5[%get3A_59, %get3A_60, %get3A_61] {strides = array<i32>} : memref<64x2x112xi32, #tpu.memory_space<vmem>>, vector<1x1x16xi32>,
      %get3A_63 = vector.shape_cast %get3A_62 : vector<1x1x16xi32> to vector<16xi32>
      %sub3A_64 = vector.broadcast %mul3A_15 : i32 to vector<16xi32>
      %sub3A_65 = arith.subi %get3A_63, %sub3A_64 : vector<16xi32>
      %ge3A_66 = arith.constant 0 : i32
      %ge3A_67 = vector.broadcast %ge3A_66 : i32 to vector<16xi32>
      %ge3A_68 = arith.cmpi sge, %sub3A_65, %ge3A_67 : vector<16xi32>
      %lt3A_69 = arith.constant 500000 : i32
      %lt3A_70 = vector.broadcast %lt3A_69 : i32 to vector<16xi32>
      %lt3A_71 = arith.cmpi slt, %sub3A_65, %lt3A_70 : vector<16xi32>
      %and3A_72 = arith.andi %ge3A_68, %lt3A_71 : vector<16xi1>
      %jit3A_73 = arith.constant 500000 : i32
      %broadcast_in_dim3A_74 = vector.broadcast %jit3A_73 : i32 to vector<16xi32>
      %select_n3A_75 = arith.select %and3A_72, %sub3A_65, %broadcast_in_dim3A_74 : vector<16xi1>, vector<16xi32>
      %swap3A_76 = arith.constant 0 : i32
      %swap3A_77 = arith.index_cast %scan3A_41 : i32 to index
      %swap3A_78 = arith.index_cast %swap3A_76 : i32 to index
      %swap3A_79 = arith.constant 16 : index
      %swap3A_80 = tpu.vector_load %arg5[%swap3A_77, %swap3A_78, %swap3A_79] {strides = array<i32>} : memref<64x2x112xi32, #tpu.memory_space<vmem>>, vector<1x1x16xi32>,
      %swap3A_81 = vector.shape_cast %swap3A_80 : vector<1x1x16xi32> to vector<16xi32>
      %swap3A_82 = vector.shape_cast %select_n3A_75 : vector<16xi32> to vector<1x1x16xi32>
      tpu.vector_store %arg5[%swap3A_77, %swap3A_78, %swap3A_79], %swap3A_82 {strides = array<i32>} : memref<64x2x112xi32, #tpu.memory_space<vmem>>, vector<1x1x16xi32>,
      %get3A_83 = arith.constant 0 : i32
      %get3A_84 = arith.index_cast %scan3A_41 : i32 to index
      %get3A_85 = arith.index_cast %get3A_83 : i32 to index
      %get3A_86 = arith.constant 32 : index
      %get3A_87 = tpu.vector_load %arg5[%get3A_84, %get3A_85, %get3A_86] {strides = array<i32>} : memref<64x2x112xi32, #tpu.memory_space<vmem>>, vector<1x1x16xi32>,
      %get3A_88 = vector.shape_cast %get3A_87 : vector<1x1x16xi32> to vector<16xi32>
      %sub3A_89 = vector.broadcast %mul3A_15 : i32 to vector<16xi32>
      %sub3A_90 = arith.subi %get3A_88, %sub3A_89 : vector<16xi32>
      %ge3A_91 = arith.constant 0 : i32
      %ge3A_92 = vector.broadcast %ge3A_91 : i32 to vector<16xi32>
      %ge3A_93 = arith.cmpi sge, %sub3A_90, %ge3A_92 : vector<16xi32>
      %lt3A_94 = arith.constant 500000 : i32
      %lt3A_95 = vector.broadcast %lt3A_94 : i32 to vector<16xi32>
      %lt3A_96 = arith.cmpi slt, %sub3A_90, %lt3A_95 : vector<16xi32>
      %and3A_97 = arith.andi %ge3A_93, %lt3A_96 : vector<16xi1>
      %jit3A_98 = arith.constant 500000 : i32
      %broadcast_in_dim3A_99 = vector.broadcast %jit3A_98 : i32 to vector<16xi32>
      %select_n3A_100 = arith.select %and3A_97, %sub3A_90, %broadcast_in_dim3A_99 : vector<16xi1>, vector<16xi32>
      %swap3A_101 = arith.constant 0 : i32
      %swap3A_102 = arith.index_cast %scan3A_41 : i32 to index
      %swap3A_103 = arith.index_cast %swap3A_101 : i32 to index
      %swap3A_104 = arith.constant 32 : index
      %swap3A_105 = tpu.vector_load %arg5[%swap3A_102, %swap3A_103, %swap3A_104] {strides = array<i32>} : memref<64x2x112xi32, #tpu.memory_space<vmem>>, vector<1x1x16xi32>,
      %swap3A_106 = vector.shape_cast %swap3A_105 : vector<1x1x16xi32> to vector<16xi32>
      %swap3A_107 = vector.shape_cast %select_n3A_100 : vector<16xi32> to vector<1x1x16xi32>
      tpu.vector_store %arg5[%swap3A_102, %swap3A_103, %swap3A_104], %swap3A_107 {strides = array<i32>} : memref<64x2x112xi32, #tpu.memory_space<vmem>>, vector<1x1x16xi32>,
      %get3A_108 = arith.constant 0 : i32
      %get3A_109 = arith.index_cast %scan3A_41 : i32 to index
      %get3A_110 = arith.index_cast %get3A_108 : i32 to index
      %get3A_111 = arith.constant 48 : index
      %get3A_112 = tpu.vector_load %arg5[%get3A_109, %get3A_110, %get3A_111] {strides = array<i32>} : memref<64x2x112xi32, #tpu.memory_space<vmem>>, vector<1x1x16xi32>,
      %get3A_113 = vector.shape_cast %get3A_112 : vector<1x1x16xi32> to vector<16xi32>
      %sub3A_114 = vector.broadcast %mul3A_15 : i32 to vector<16xi32>
      %sub3A_115 = arith.subi %get3A_113, %sub3A_114 : vector<16xi32>
      %ge3A_116 = arith.constant 0 : i32
      %ge3A_117 = vector.broadcast %ge3A_116 : i32 to vector<16xi32>
      %ge3A_118 = arith.cmpi sge, %sub3A_115, %ge3A_117 : vector<16xi32>
      %lt3A_119 = arith.constant 500000 : i32
      %lt3A_120 = vector.broadcast %lt3A_119 : i32 to vector<16xi32>
      %lt3A_121 = arith.cmpi slt, %sub3A_115, %lt3A_120 : vector<16xi32>
      %and3A_122 = arith.andi %ge3A_118, %lt3A_121 : vector<16xi1>
      %jit3A_123 = arith.constant 500000 : i32
      %broadcast_in_dim3A_124 = vector.broadcast %jit3A_123 : i32 to vector<16xi32>
      %select_n3A_125 = arith.select %and3A_122, %sub3A_115, %broadcast_in_dim3A_124 : vector<16xi1>, vector<16xi32>
      %swap3A_126 = arith.constant 0 : i32
      %swap3A_127 = arith.index_cast %scan3A_41 : i32 to index
      %swap3A_128 = arith.index_cast %swap3A_126 : i32 to index
      %swap3A_129 = arith.constant 48 : index
      %swap3A_130 = tpu.vector_load %arg5[%swap3A_127, %swap3A_128, %swap3A_129] {strides = array<i32>} : memref<64x2x112xi32, #tpu.memory_space<vmem>>, vector<1x1x16xi32>,
      %swap3A_131 = vector.shape_cast %swap3A_130 : vector<1x1x16xi32> to vector<16xi32>
      %swap3A_132 = vector.shape_cast %select_n3A_125 : vector<16xi32> to vector<1x1x16xi32>
      tpu.vector_store %arg5[%swap3A_127, %swap3A_128, %swap3A_129], %swap3A_132 {strides = array<i32>} : memref<64x2x112xi32, #tpu.memory_space<vmem>>, vector<1x1x16xi32>,
      %get3A_133 = arith.constant 0 : i32
      %get3A_134 = arith.index_cast %scan3A_41 : i32 to index
      %get3A_135 = arith.index_cast %get3A_133 : i32 to index
      %get3A_136 = arith.constant 64 : index
      %get3A_137 = tpu.vector_load %arg5[%get3A_134, %get3A_135, %get3A_136] {strides = array<i32>} : memref<64x2x112xi32, #tpu.memory_space<vmem>>, vector<1x1x16xi32>,
      %get3A_138 = vector.shape_cast %get3A_137 : vector<1x1x16xi32> to vector<16xi32>
      %sub3A_139 = vector.broadcast %mul3A_15 : i32 to vector<16xi32>
      %sub3A_140 = arith.subi %get3A_138, %sub3A_139 : vector<16xi32>
      %ge3A_141 = arith.constant 0 : i32
      %ge3A_142 = vector.broadcast %ge3A_141 : i32 to vector<16xi32>
      %ge3A_143 = arith.cmpi sge, %sub3A_140, %ge3A_142 : vector<16xi32>
      %lt3A_144 = arith.constant 500000 : i32
      %lt3A_145 = vector.broadcast %lt3A_144 : i32 to vector<16xi32>
      %lt3A_146 = arith.cmpi slt, %sub3A_140, %lt3A_145 : vector<16xi32>
      %and3A_147 = arith.andi %ge3A_143, %lt3A_146 : vector<16xi1>
      %jit3A_148 = arith.constant 500000 : i32
      %broadcast_in_dim3A_149 = vector.broadcast %jit3A_148 : i32 to vector<16xi32>
      %select_n3A_150 = arith.select %and3A_147, %sub3A_140, %broadcast_in_dim3A_149 : vector<16xi1>, vector<16xi32>
      %swap3A_151 = arith.constant 0 : i32
      %swap3A_152 = arith.index_cast %scan3A_41 : i32 to index
      %swap3A_153 = arith.index_cast %swap3A_151 : i32 to index
      %swap3A_154 = arith.constant 64 : index
      %swap3A_155 = tpu.vector_load %arg5[%swap3A_152, %swap3A_153, %swap3A_154] {strides = array<i32>} : memref<64x2x112xi32, #tpu.memory_space<vmem>>, vector<1x1x16xi32>,
      %swap3A_156 = vector.shape_cast %swap3A_155 : vector<1x1x16xi32> to vector<16xi32>
      %swap3A_157 = vector.shape_cast %select_n3A_150 : vector<16xi32> to vector<1x1x16xi32>
      tpu.vector_store %arg5[%swap3A_152, %swap3A_153, %swap3A_154], %swap3A_157 {strides = array<i32>} : memref<64x2x112xi32, #tpu.memory_space<vmem>>, vector<1x1x16xi32>,
      %get3A_158 = arith.constant 0 : i32
      %get3A_159 = arith.index_cast %scan3A_41 : i32 to index
      %get3A_160 = arith.index_cast %get3A_158 : i32 to index
      %get3A_161 = arith.constant 80 : index
      %get3A_162 = tpu.vector_load %arg5[%get3A_159, %get3A_160, %get3A_161] {strides = array<i32>} : memref<64x2x112xi32, #tpu.memory_space<vmem>>, vector<1x1x16xi32>,
      %get3A_163 = vector.shape_cast %get3A_162 : vector<1x1x16xi32> to vector<16xi32>
      %sub3A_164 = vector.broadcast %mul3A_15 : i32 to vector<16xi32>
      %sub3A_165 = arith.subi %get3A_163, %sub3A_164 : vector<16xi32>
      %ge3A_166 = arith.constant 0 : i32
      %ge3A_167 = vector.broadcast %ge3A_166 : i32 to vector<16xi32>
      %ge3A_168 = arith.cmpi sge, %sub3A_165, %ge3A_167 : vector<16xi32>
      %lt3A_169 = arith.constant 500000 : i32
      %lt3A_170 = vector.broadcast %lt3A_169 : i32 to vector<16xi32>
      %lt3A_171 = arith.cmpi slt, %sub3A_165, %lt3A_170 : vector<16xi32>
      %and3A_172 = arith.andi %ge3A_168, %lt3A_171 : vector<16xi1>
      %jit3A_173 = arith.constant 500000 : i32
      %broadcast_in_dim3A_174 = vector.broadcast %jit3A_173 : i32 to vector<16xi32>
      %select_n3A_175 = arith.select %and3A_172, %sub3A_165, %broadcast_in_dim3A_174 : vector<16xi1>, vector<16xi32>
      %swap3A_176 = arith.constant 0 : i32
      %swap3A_177 = arith.index_cast %scan3A_41 : i32 to index
      %swap3A_178 = arith.index_cast %swap3A_176 : i32 to index
      %swap3A_179 = arith.constant 80 : index
      %swap3A_180 = tpu.vector_load %arg5[%swap3A_177, %swap3A_178, %swap3A_179] {strides = array<i32>} : memref<64x2x112xi32, #tpu.memory_space<vmem>>, vector<1x1x16xi32>,
      %swap3A_181 = vector.shape_cast %swap3A_180 : vector<1x1x16xi32> to vector<16xi32>
      %swap3A_182 = vector.shape_cast %select_n3A_175 : vector<16xi32> to vector<1x1x16xi32>
      tpu.vector_store %arg5[%swap3A_177, %swap3A_178, %swap3A_179], %swap3A_182 {strides = array<i32>} : memref<64x2x112xi32, #tpu.memory_space<vmem>>, vector<1x1x16xi32>,
      %get3A_183 = arith.constant 0 : i32
      %get3A_184 = arith.index_cast %scan3A_41 : i32 to index
      %get3A_185 = arith.index_cast %get3A_183 : i32 to index
      %get3A_186 = arith.constant 96 : index
      %get3A_187 = tpu.vector_load %arg5[%get3A_184, %get3A_185, %get3A_186] {strides = array<i32>} : memref<64x2x112xi32, #tpu.memory_space<vmem>>, vector<1x1x16xi32>,
      %get3A_188 = vector.shape_cast %get3A_187 : vector<1x1x16xi32> to vector<16xi32>
      %sub3A_189 = vector.broadcast %mul3A_15 : i32 to vector<16xi32>
      %sub3A_190 = arith.subi %get3A_188, %sub3A_189 : vector<16xi32>
      %ge3A_191 = arith.constant 0 : i32
      %ge3A_192 = vector.broadcast %ge3A_191 : i32 to vector<16xi32>
      %ge3A_193 = arith.cmpi sge, %sub3A_190, %ge3A_192 : vector<16xi32>
      %lt3A_194 = arith.constant 500000 : i32
      %lt3A_195 = vector.broadcast %lt3A_194 : i32 to vector<16xi32>
      %lt3A_196 = arith.cmpi slt, %sub3A_190, %lt3A_195 : vector<16xi32>
      %and3A_197 = arith.andi %ge3A_193, %lt3A_196 : vector<16xi1>
      %jit3A_198 = arith.constant 500000 : i32
      %broadcast_in_dim3A_199 = vector.broadcast %jit3A_198 : i32 to vector<16xi32>
      %select_n3A_200 = arith.select %and3A_197, %sub3A_190, %broadcast_in_dim3A_199 : vector<16xi1>, vector<16xi32>
      %swap3A_201 = arith.constant 0 : i32
      %swap3A_202 = arith.index_cast %scan3A_41 : i32 to index
      %swap3A_203 = arith.index_cast %swap3A_201 : i32 to index
      %swap3A_204 = arith.constant 96 : index
      %swap3A_205 = tpu.vector_load %arg5[%swap3A_202, %swap3A_203, %swap3A_204] {strides = array<i32>} : memref<64x2x112xi32, #tpu.memory_space<vmem>>, vector<1x1x16xi32>,
      %swap3A_206 = vector.shape_cast %swap3A_205 : vector<1x1x16xi32> to vector<16xi32>
      %swap3A_207 = vector.shape_cast %select_n3A_200 : vector<16xi32> to vector<1x1x16xi32>
      tpu.vector_store %arg5[%swap3A_202, %swap3A_203, %swap3A_204], %swap3A_207 {strides = array<i32>} : memref<64x2x112xi32, #tpu.memory_space<vmem>>, vector<1x1x16xi32>,
      %get3A_208 = arith.constant 1 : i32
      %get3A_209 = arith.index_cast %scan3A_41 : i32 to index
      %get3A_210 = arith.index_cast %get3A_208 : i32 to index
      %get3A_211 = arith.constant 0 : index
      %get3A_212 = tpu.vector_load %arg5[%get3A_209, %get3A_210, %get3A_211] {strides = array<i32>} : memref<64x2x112xi32, #tpu.memory_space<vmem>>, vector<1x1x16xi32>,
      %get3A_213 = vector.shape_cast %get3A_212 : vector<1x1x16xi32> to vector<16xi32>
      %sub3A_214 = vector.broadcast %mul3A_15 : i32 to vector<16xi32>
      %sub3A_215 = arith.subi %get3A_213, %sub3A_214 : vector<16xi32>
      %ge3A_216 = arith.constant 0 : i32
      %ge3A_217 = vector.broadcast %ge3A_216 : i32 to vector<16xi32>
      %ge3A_218 = arith.cmpi sge, %sub3A_215, %ge3A_217 : vector<16xi32>
      %lt3A_219 = arith.constant 500000 : i32
      %lt3A_220 = vector.broadcast %lt3A_219 : i32 to vector<16xi32>
      %lt3A_221 = arith.cmpi slt, %sub3A_215, %lt3A_220 : vector<16xi32>
      %and3A_222 = arith.andi %ge3A_218, %lt3A_221 : vector<16xi1>
      %jit3A_223 = arith.constant 500000 : i32
      %broadcast_in_dim3A_224 = vector.broadcast %jit3A_223 : i32 to vector<16xi32>
      %select_n3A_225 = arith.select %and3A_222, %sub3A_215, %broadcast_in_dim3A_224 : vector<16xi1>, vector<16xi32>
      %swap3A_226 = arith.constant 1 : i32
      %swap3A_227 = arith.index_cast %scan3A_41 : i32 to index
      %swap3A_228 = arith.index_cast %swap3A_226 : i32 to index
      %swap3A_229 = arith.constant 0 : index
      %swap3A_230 = tpu.vector_load %arg5[%swap3A_227, %swap3A_228, %swap3A_229] {strides = array<i32>} : memref<64x2x112xi32, #tpu.memory_space<vmem>>, vector<1x1x16xi32>,
      %swap3A_231 = vector.shape_cast %swap3A_230 : vector<1x1x16xi32> to vector<16xi32>
      %swap3A_232 = vector.shape_cast %select_n3A_225 : vector<16xi32> to vector<1x1x16xi32>
      tpu.vector_store %arg5[%swap3A_227, %swap3A_228, %swap3A_229], %swap3A_232 {strides = array<i32>} : memref<64x2x112xi32, #tpu.memory_space<vmem>>, vector<1x1x16xi32>,
      %get3A_233 = arith.constant 1 : i32
      %get3A_234 = arith.index_cast %scan3A_41 : i32 to index
      %get3A_235 = arith.index_cast %get3A_233 : i32 to index
      %get3A_236 = arith.constant 16 : index
      %get3A_237 = tpu.vector_load %arg5[%get3A_234, %get3A_235, %get3A_236] {strides = array<i32>} : memref<64x2x112xi32, #tpu.memory_space<vmem>>, vector<1x1x16xi32>,
      %get3A_238 = vector.shape_cast %get3A_237 : vector<1x1x16xi32> to vector<16xi32>
      %sub3A_239 = vector.broadcast %mul3A_15 : i32 to vector<16xi32>
      %sub3A_240 = arith.subi %get3A_238, %sub3A_239 : vector<16xi32>
      %ge3A_241 = arith.constant 0 : i32
      %ge3A_242 = vector.broadcast %ge3A_241 : i32 to vector<16xi32>
      %ge3A_243 = arith.cmpi sge, %sub3A_240, %ge3A_242 : vector<16xi32>
      %lt3A_244 = arith.constant 500000 : i32
      %lt3A_245 = vector.broadcast %lt3A_244 : i32 to vector<16xi32>
      %lt3A_246 = arith.cmpi slt, %sub3A_240, %lt3A_245 : vector<16xi32>
      %and3A_247 = arith.andi %ge3A_243, %lt3A_246 : vector<16xi1>
      %jit3A_248 = arith.constant 500000 : i32
      %broadcast_in_dim3A_249 = vector.broadcast %jit3A_248 : i32 to vector<16xi32>
      %select_n3A_250 = arith.select %and3A_247, %sub3A_240, %broadcast_in_dim3A_249 : vector<16xi1>, vector<16xi32>
      %swap3A_251 = arith.constant 1 : i32
      %swap3A_252 = arith.index_cast %scan3A_41 : i32 to index
      %swap3A_253 = arith.index_cast %swap3A_251 : i32 to index
      %swap3A_254 = arith.constant 16 : index
      %swap3A_255 = tpu.vector_load %arg5[%swap3A_252, %swap3A_253, %swap3A_254] {strides = array<i32>} : memref<64x2x112xi32, #tpu.memory_space<vmem>>, vector<1x1x16xi32>,
      %swap3A_256 = vector.shape_cast %swap3A_255 : vector<1x1x16xi32> to vector<16xi32>
      %swap3A_257 = vector.shape_cast %select_n3A_250 : vector<16xi32> to vector<1x1x16xi32>
      tpu.vector_store %arg5[%swap3A_252, %swap3A_253, %swap3A_254], %swap3A_257 {strides = array<i32>} : memref<64x2x112xi32, #tpu.memory_space<vmem>>, vector<1x1x16xi32>,
      %get3A_258 = arith.constant 1 : i32
      %get3A_259 = arith.index_cast %scan3A_41 : i32 to index
      %get3A_260 = arith.index_cast %get3A_258 : i32 to index
      %get3A_261 = arith.constant 32 : index
      %get3A_262 = tpu.vector_load %arg5[%get3A_259, %get3A_260, %get3A_261] {strides = array<i32>} : memref<64x2x112xi32, #tpu.memory_space<vmem>>, vector<1x1x16xi32>,
      %get3A_263 = vector.shape_cast %get3A_262 : vector<1x1x16xi32> to vector<16xi32>
      %sub3A_264 = vector.broadcast %mul3A_15 : i32 to vector<16xi32>
      %sub3A_265 = arith.subi %get3A_263, %sub3A_264 : vector<16xi32>
      %ge3A_266 = arith.constant 0 : i32
      %ge3A_267 = vector.broadcast %ge3A_266 : i32 to vector<16xi32>
      %ge3A_268 = arith.cmpi sge, %sub3A_265, %ge3A_267 : vector<16xi32>
      %lt3A_269 = arith.constant 500000 : i32
      %lt3A_270 = vector.broadcast %lt3A_269 : i32 to vector<16xi32>
      %lt3A_271 = arith.cmpi slt, %sub3A_265, %lt3A_270 : vector<16xi32>
      %and3A_272 = arith.andi %ge3A_268, %lt3A_271 : vector<16xi1>
      %jit3A_273 = arith.constant 500000 : i32
      %broadcast_in_dim3A_274 = vector.broadcast %jit3A_273 : i32 to vector<16xi32>
      %select_n3A_275 = arith.select %and3A_272, %sub3A_265, %broadcast_in_dim3A_274 : vector<16xi1>, vector<16xi32>
      %swap3A_276 = arith.constant 1 : i32
      %swap3A_277 = arith.index_cast %scan3A_41 : i32 to index
      %swap3A_278 = arith.index_cast %swap3A_276 : i32 to index
      %swap3A_279 = arith.constant 32 : index
      %swap3A_280 = tpu.vector_load %arg5[%swap3A_277, %swap3A_278, %swap3A_279] {strides = array<i32>} : memref<64x2x112xi32, #tpu.memory_space<vmem>>, vector<1x1x16xi32>,
      %swap3A_281 = vector.shape_cast %swap3A_280 : vector<1x1x16xi32> to vector<16xi32>
      %swap3A_282 = vector.shape_cast %select_n3A_275 : vector<16xi32> to vector<1x1x16xi32>
      tpu.vector_store %arg5[%swap3A_277, %swap3A_278, %swap3A_279], %swap3A_282 {strides = array<i32>} : memref<64x2x112xi32, #tpu.memory_space<vmem>>, vector<1x1x16xi32>,
      %get3A_283 = arith.constant 1 : i32
      %get3A_284 = arith.index_cast %scan3A_41 : i32 to index
      %get3A_285 = arith.index_cast %get3A_283 : i32 to index
      %get3A_286 = arith.constant 48 : index
      %get3A_287 = tpu.vector_load %arg5[%get3A_284, %get3A_285, %get3A_286] {strides = array<i32>} : memref<64x2x112xi32, #tpu.memory_space<vmem>>, vector<1x1x16xi32>,
      %get3A_288 = vector.shape_cast %get3A_287 : vector<1x1x16xi32> to vector<16xi32>
      %sub3A_289 = vector.broadcast %mul3A_15 : i32 to vector<16xi32>
      %sub3A_290 = arith.subi %get3A_288, %sub3A_289 : vector<16xi32>
      %ge3A_291 = arith.constant 0 : i32
      %ge3A_292 = vector.broadcast %ge3A_291 : i32 to vector<16xi32>
      %ge3A_293 = arith.cmpi sge, %sub3A_290, %ge3A_292 : vector<16xi32>
      %lt3A_294 = arith.constant 500000 : i32
      %lt3A_295 = vector.broadcast %lt3A_294 : i32 to vector<16xi32>
      %lt3A_296 = arith.cmpi slt, %sub3A_290, %lt3A_295 : vector<16xi32>
      %and3A_297 = arith.andi %ge3A_293, %lt3A_296 : vector<16xi1>
      %jit3A_298 = arith.constant 500000 : i32
      %broadcast_in_dim3A_299 = vector.broadcast %jit3A_298 : i32 to vector<16xi32>
      %select_n3A_300 = arith.select %and3A_297, %sub3A_290, %broadcast_in_dim3A_299 : vector<16xi1>, vector<16xi32>
      %swap3A_301 = arith.constant 1 : i32
      %swap3A_302 = arith.index_cast %scan3A_41 : i32 to index
      %swap3A_303 = arith.index_cast %swap3A_301 : i32 to index
      %swap3A_304 = arith.constant 48 : index
      %swap3A_305 = tpu.vector_load %arg5[%swap3A_302, %swap3A_303, %swap3A_304] {strides = array<i32>} : memref<64x2x112xi32, #tpu.memory_space<vmem>>, vector<1x1x16xi32>,
      %swap3A_306 = vector.shape_cast %swap3A_305 : vector<1x1x16xi32> to vector<16xi32>
      %swap3A_307 = vector.shape_cast %select_n3A_300 : vector<16xi32> to vector<1x1x16xi32>
      tpu.vector_store %arg5[%swap3A_302, %swap3A_303, %swap3A_304], %swap3A_307 {strides = array<i32>} : memref<64x2x112xi32, #tpu.memory_space<vmem>>, vector<1x1x16xi32>,
      %get3A_308 = arith.constant 1 : i32
      %get3A_309 = arith.index_cast %scan3A_41 : i32 to index
      %get3A_310 = arith.index_cast %get3A_308 : i32 to index
      %get3A_311 = arith.constant 64 : index
      %get3A_312 = tpu.vector_load %arg5[%get3A_309, %get3A_310, %get3A_311] {strides = array<i32>} : memref<64x2x112xi32, #tpu.memory_space<vmem>>, vector<1x1x16xi32>,
      %get3A_313 = vector.shape_cast %get3A_312 : vector<1x1x16xi32> to vector<16xi32>
      %sub3A_314 = vector.broadcast %mul3A_15 : i32 to vector<16xi32>
      %sub3A_315 = arith.subi %get3A_313, %sub3A_314 : vector<16xi32>
      %ge3A_316 = arith.constant 0 : i32
      %ge3A_317 = vector.broadcast %ge3A_316 : i32 to vector<16xi32>
      %ge3A_318 = arith.cmpi sge, %sub3A_315, %ge3A_317 : vector<16xi32>
      %lt3A_319 = arith.constant 500000 : i32
      %lt3A_320 = vector.broadcast %lt3A_319 : i32 to vector<16xi32>
      %lt3A_321 = arith.cmpi slt, %sub3A_315, %lt3A_320 : vector<16xi32>
      %and3A_322 = arith.andi %ge3A_318, %lt3A_321 : vector<16xi1>
      %jit3A_323 = arith.constant 500000 : i32
      %broadcast_in_dim3A_324 = vector.broadcast %jit3A_323 : i32 to vector<16xi32>
      %select_n3A_325 = arith.select %and3A_322, %sub3A_315, %broadcast_in_dim3A_324 : vector<16xi1>, vector<16xi32>
      %swap3A_326 = arith.constant 1 : i32
      %swap3A_327 = arith.index_cast %scan3A_41 : i32 to index
      %swap3A_328 = arith.index_cast %swap3A_326 : i32 to index
      %swap3A_329 = arith.constant 64 : index
      %swap3A_330 = tpu.vector_load %arg5[%swap3A_327, %swap3A_328, %swap3A_329] {strides = array<i32>} : memref<64x2x112xi32, #tpu.memory_space<vmem>>, vector<1x1x16xi32>,
      %swap3A_331 = vector.shape_cast %swap3A_330 : vector<1x1x16xi32> to vector<16xi32>
      %swap3A_332 = vector.shape_cast %select_n3A_325 : vector<16xi32> to vector<1x1x16xi32>
      tpu.vector_store %arg5[%swap3A_327, %swap3A_328, %swap3A_329], %swap3A_332 {strides = array<i32>} : memref<64x2x112xi32, #tpu.memory_space<vmem>>, vector<1x1x16xi32>,
      %get3A_333 = arith.constant 1 : i32
      %get3A_334 = arith.index_cast %scan3A_41 : i32 to index
      %get3A_335 = arith.index_cast %get3A_333 : i32 to index
      %get3A_336 = arith.constant 80 : index
      %get3A_337 = tpu.vector_load %arg5[%get3A_334, %get3A_335, %get3A_336] {strides = array<i32>} : memref<64x2x112xi32, #tpu.memory_space<vmem>>, vector<1x1x16xi32>,
      %get3A_338 = vector.shape_cast %get3A_337 : vector<1x1x16xi32> to vector<16xi32>
      %sub3A_339 = vector.broadcast %mul3A_15 : i32 to vector<16xi32>
      %sub3A_340 = arith.subi %get3A_338, %sub3A_339 : vector<16xi32>
      %ge3A_341 = arith.constant 0 : i32
      %ge3A_342 = vector.broadcast %ge3A_341 : i32 to vector<16xi32>
      %ge3A_343 = arith.cmpi sge, %sub3A_340, %ge3A_342 : vector<16xi32>
      %lt3A_344 = arith.constant 500000 : i32
      %lt3A_345 = vector.broadcast %lt3A_344 : i32 to vector<16xi32>
      %lt3A_346 = arith.cmpi slt, %sub3A_340, %lt3A_345 : vector<16xi32>
      %and3A_347 = arith.andi %ge3A_343, %lt3A_346 : vector<16xi1>
      %jit3A_348 = arith.constant 500000 : i32
      %broadcast_in_dim3A_349 = vector.broadcast %jit3A_348 : i32 to vector<16xi32>
      %select_n3A_350 = arith.select %and3A_347, %sub3A_340, %broadcast_in_dim3A_349 : vector<16xi1>, vector<16xi32>
      %swap3A_351 = arith.constant 1 : i32
      %swap3A_352 = arith.index_cast %scan3A_41 : i32 to index
      %swap3A_353 = arith.index_cast %swap3A_351 : i32 to index
      %swap3A_354 = arith.constant 80 : index
      %swap3A_355 = tpu.vector_load %arg5[%swap3A_352, %swap3A_353, %swap3A_354] {strides = array<i32>} : memref<64x2x112xi32, #tpu.memory_space<vmem>>, vector<1x1x16xi32>,
      %swap3A_356 = vector.shape_cast %swap3A_355 : vector<1x1x16xi32> to vector<16xi32>
      %swap3A_357 = vector.shape_cast %select_n3A_350 : vector<16xi32> to vector<1x1x16xi32>
      tpu.vector_store %arg5[%swap3A_352, %swap3A_353, %swap3A_354], %swap3A_357 {strides = array<i32>} : memref<64x2x112xi32, #tpu.memory_space<vmem>>, vector<1x1x16xi32>,
      %get3A_358 = arith.constant 1 : i32
      %get3A_359 = arith.index_cast %scan3A_41 : i32 to index
      %get3A_360 = arith.index_cast %get3A_358 : i32 to index
      %get3A_361 = arith.constant 96 : index
      %get3A_362 = tpu.vector_load %arg5[%get3A_359, %get3A_360, %get3A_361] {strides = array<i32>} : memref<64x2x112xi32, #tpu.memory_space<vmem>>, vector<1x1x16xi32>,
      %get3A_363 = vector.shape_cast %get3A_362 : vector<1x1x16xi32> to vector<16xi32>
      %sub3A_364 = vector.broadcast %mul3A_15 : i32 to vector<16xi32>
      %sub3A_365 = arith.subi %get3A_363, %sub3A_364 : vector<16xi32>
      %ge3A_366 = arith.constant 0 : i32
      %ge3A_367 = vector.broadcast %ge3A_366 : i32 to vector<16xi32>
      %ge3A_368 = arith.cmpi sge, %sub3A_365, %ge3A_367 : vector<16xi32>
      %lt3A_369 = arith.constant 500000 : i32
      %lt3A_370 = vector.broadcast %lt3A_369 : i32 to vector<16xi32>
      %lt3A_371 = arith.cmpi slt, %sub3A_365, %lt3A_370 : vector<16xi32>
      %and3A_372 = arith.andi %ge3A_368, %lt3A_371 : vector<16xi1>
      %jit3A_373 = arith.constant 500000 : i32
      %broadcast_in_dim3A_374 = vector.broadcast %jit3A_373 : i32 to vector<16xi32>
      %select_n3A_375 = arith.select %and3A_372, %sub3A_365, %broadcast_in_dim3A_374 : vector<16xi1>, vector<16xi32>
      %swap3A_376 = arith.constant 1 : i32
      %swap3A_377 = arith.index_cast %scan3A_41 : i32 to index
      %swap3A_378 = arith.index_cast %swap3A_376 : i32 to index
      %swap3A_379 = arith.constant 96 : index
      %swap3A_380 = tpu.vector_load %arg5[%swap3A_377, %swap3A_378, %swap3A_379] {strides = array<i32>} : memref<64x2x112xi32, #tpu.memory_space<vmem>>, vector<1x1x16xi32>,
      %swap3A_381 = vector.shape_cast %swap3A_380 : vector<1x1x16xi32> to vector<16xi32>
      %swap3A_382 = vector.shape_cast %select_n3A_375 : vector<16xi32> to vector<1x1x16xi32>
      tpu.vector_store %arg5[%swap3A_377, %swap3A_378, %swap3A_379], %swap3A_382 {strides = array<i32>} : memref<64x2x112xi32, #tpu.memory_space<vmem>>, vector<1x1x16xi32>,
    }
    %scan3A_20 = arith.constant 64 : i32
    %barrier3A = arith.constant 0 : index
    tpu.barrier barrier_id(%barrier3A)
    %scan3A_21 = arith.constant 0 : i32
    %scan3A_22 = arith.constant 0 : i32
    %scan3A_23 = arith.constant 64 : i32
    %scan3A_24 = arith.addi %scan3A_22, %scan3A_23 : i32
    %scan3A_25 = arith.constant 1 : i32
    scf.for %scan3A_41 = %scan3A_22 to %scan3A_24 step %scan3A_25  : i32 {
      %dma_start3A = arith.constant 0 : i32
      %dma_start3A_42 = arith.constant 0 : i32
      %dma_start3A_43 = arith.constant 0 : i32
      %dma_start3A_44 = tpu.memref_slice %arg6[%scan3A_41, %dma_start3A_42, %dma_start3A_43] : memref<64x2x112xi32, #tpu.memory_space<vmem>> -> memref<1x1x112xi32, #tpu.memory_space<vmem>>
      %dma_start3A_45 = tpu.memref_squeeze %dma_start3A_44 : memref<1x1x112xi32, #tpu.memory_space<vmem>> -> memref<112xi32, #tpu.memory_space<vmem>>
      %dma_start3A_46 = arith.constant 0 : i32
      %dma_start3A_47 = tpu.memref_slice %arg5[%scan3A_41, %dma_start3A, %dma_start3A_46] : memref<64x2x112xi32, #tpu.memory_space<vmem>> -> memref<1x1x112xi32, #tpu.memory_space<vmem>>
      %dma_start3A_48 = tpu.memref_squeeze %dma_start3A_47 : memref<1x1x112xi32, #tpu.memory_space<vmem>> -> memref<112xi32, #tpu.memory_space<vmem>>
      %dma_start3A_49 = arith.constant 0 : i32
      %dma_start3A_50 = tpu.memref_slice %arg8[%dma_start3A_49] : memref<500008xi32, #tpu.memory_space<vmem_shared>> -> memref<500008xi32, #tpu.memory_space<vmem_shared>>
      tpu.enqueue_indirect_dma source(%dma_start3A_50 : memref<500008xi32, #tpu.memory_space<vmem_shared>>) target(%dma_start3A_45 : memref<112xi32, #tpu.memory_space<vmem>>) offsets(%dma_start3A_48 : memref<112xi32, #tpu.memory_space<vmem>>) semaphore(%arg10 : memref<!tpu.dma_semaphore, #tpu.memory_space<semaphore_mem>>)
      %dma_start3A_51 = arith.constant 1 : i32
      %dma_start3A_52 = arith.constant 1 : i32
      %dma_start3A_53 = arith.constant 0 : i32
      %dma_start3A_54 = tpu.memref_slice %arg6[%scan3A_41, %dma_start3A_52, %dma_start3A_53] : memref<64x2x112xi32, #tpu.memory_space<vmem>> -> memref<1x1x112xi32, #tpu.memory_space<vmem>>
      %dma_start3A_55 = tpu.memref_squeeze %dma_start3A_54 : memref<1x1x112xi32, #tpu.memory_space<vmem>> -> memref<112xi32, #tpu.memory_space<vmem>>
      %dma_start3A_56 = arith.constant 0 : i32
      %dma_start3A_57 = tpu.memref_slice %arg5[%scan3A_41, %dma_start3A_51, %dma_start3A_56] : memref<64x2x112xi32, #tpu.memory_space<vmem>> -> memref<1x1x112xi32, #tpu.memory_space<vmem>>
      %dma_start3A_58 = tpu.memref_squeeze %dma_start3A_57 : memref<1x1x112xi32, #tpu.memory_space<vmem>> -> memref<112xi32, #tpu.memory_space<vmem>>
      %dma_start3A_59 = arith.constant 0 : i32
      %dma_start3A_60 = tpu.memref_slice %arg8[%dma_start3A_59] : memref<500008xi32, #tpu.memory_space<vmem_shared>> -> memref<500008xi32, #tpu.memory_space<vmem_shared>>
      tpu.enqueue_indirect_dma source(%dma_start3A_60 : memref<500008xi32, #tpu.memory_space<vmem_shared>>) target(%dma_start3A_55 : memref<112xi32, #tpu.memory_space<vmem>>) offsets(%dma_start3A_58 : memref<112xi32, #tpu.memory_space<vmem>>) semaphore(%arg10 : memref<!tpu.dma_semaphore, #tpu.memory_space<semaphore_mem>>)
    }
    %scan3A_26 = arith.constant 64 : i32
    %scan3A_27 = arith.constant 0 : i32
    %scan3A_28 = arith.constant 0 : i32
    %scan3A_29 = arith.constant 64 : i32
    %scan3A_30 = arith.addi %scan3A_28, %scan3A_29 : i32
    %scan3A_31 = arith.constant 1 : i32
    scf.for %scan3A_41 = %scan3A_28 to %scan3A_30 step %scan3A_31  : i32 {
      %dma_wait3A = arith.constant 0 : i32
      %dma_wait3A_42 = arith.constant 0 : i32
      %dma_wait3A_43 = arith.constant 0 : i32
      %dma_wait3A_44 = tpu.memref_slice %arg6[%scan3A_41, %dma_wait3A_42, %dma_wait3A_43] : memref<64x2x112xi32, #tpu.memory_space<vmem>> -> memref<1x1x112xi32, #tpu.memory_space<vmem>>
      %dma_wait3A_45 = tpu.memref_squeeze %dma_wait3A_44 : memref<1x1x112xi32, #tpu.memory_space<vmem>> -> memref<112xi32, #tpu.memory_space<vmem>>
      %dma_wait3A_46 = arith.constant 0 : i32
      %dma_wait3A_47 = tpu.memref_slice %arg5[%scan3A_41, %dma_wait3A, %dma_wait3A_46] : memref<64x2x112xi32, #tpu.memory_space<vmem>> -> memref<1x1x112xi32, #tpu.memory_space<vmem>>
      %dma_wait3A_48 = tpu.memref_squeeze %dma_wait3A_47 : memref<1x1x112xi32, #tpu.memory_space<vmem>> -> memref<112xi32, #tpu.memory_space<vmem>>
      %dma_wait3A_49 = arith.constant 0 : i32
      %dma_wait3A_50 = tpu.memref_slice %arg8[%dma_wait3A_49] : memref<500008xi32, #tpu.memory_space<vmem_shared>> -> memref<500008xi32, #tpu.memory_space<vmem_shared>>
      tpu.wait_indirect_dma semaphore(%arg10 : memref<!tpu.dma_semaphore, #tpu.memory_space<semaphore_mem>>) src(%dma_wait3A_50 : memref<500008xi32, #tpu.memory_space<vmem_shared>>) dst(%dma_wait3A_45 : memref<112xi32, #tpu.memory_space<vmem>>)
      %dma_wait3A_51 = arith.constant 1 : i32
      %dma_wait3A_52 = arith.constant 1 : i32
      %dma_wait3A_53 = arith.constant 0 : i32
      %dma_wait3A_54 = tpu.memref_slice %arg6[%scan3A_41, %dma_wait3A_52, %dma_wait3A_53] : memref<64x2x112xi32, #tpu.memory_space<vmem>> -> memref<1x1x112xi32, #tpu.memory_space<vmem>>
      %dma_wait3A_55 = tpu.memref_squeeze %dma_wait3A_54 : memref<1x1x112xi32, #tpu.memory_space<vmem>> -> memref<112xi32, #tpu.memory_space<vmem>>
      %dma_wait3A_56 = arith.constant 0 : i32
      %dma_wait3A_57 = tpu.memref_slice %arg5[%scan3A_41, %dma_wait3A_51, %dma_wait3A_56] : memref<64x2x112xi32, #tpu.memory_space<vmem>> -> memref<1x1x112xi32, #tpu.memory_space<vmem>>
      %dma_wait3A_58 = tpu.memref_squeeze %dma_wait3A_57 : memref<1x1x112xi32, #tpu.memory_space<vmem>> -> memref<112xi32, #tpu.memory_space<vmem>>
      %dma_wait3A_59 = arith.constant 0 : i32
      %dma_wait3A_60 = tpu.memref_slice %arg8[%dma_wait3A_59] : memref<500008xi32, #tpu.memory_space<vmem_shared>> -> memref<500008xi32, #tpu.memory_space<vmem_shared>>
      tpu.wait_indirect_dma semaphore(%arg10 : memref<!tpu.dma_semaphore, #tpu.memory_space<semaphore_mem>>) src(%dma_wait3A_60 : memref<500008xi32, #tpu.memory_space<vmem_shared>>) dst(%dma_wait3A_55 : memref<112xi32, #tpu.memory_space<vmem>>)
    }
    %scan3A_32 = arith.constant 64 : i32
    %scan3A_33 = arith.constant 0 : i32
    %scan3A_34 = arith.constant 0 : i32
    %scan3A_35 = arith.constant 64 : i32
    %scan3A_36 = arith.addi %scan3A_34, %scan3A_35 : i32
    %scan3A_37 = arith.constant 1 : i32
    scf.for %scan3A_41 = %scan3A_34 to %scan3A_36 step %scan3A_37  : i32 {
      %broadcast_in_dim3A = arith.constant 0.000000e+00 : f32
      %broadcast_in_dim3A_42 = vector.broadcast %broadcast_in_dim3A : f32 to vector<16xf32>
      %broadcast_in_dim3A_43 = arith.constant 0.000000e+00 : f32
      %broadcast_in_dim3A_44 = vector.broadcast %broadcast_in_dim3A_43 : f32 to vector<16xf32>
      %broadcast_in_dim3A_45 = arith.constant -65536 : i32
      %broadcast_in_dim3A_46 = vector.broadcast %broadcast_in_dim3A_45 : i32 to vector<16xi32>
      %get3A = arith.constant 0 : i32
      %get3A_47 = arith.index_cast %scan3A_41 : i32 to index
      %get3A_48 = arith.index_cast %get3A : i32 to index
      %get3A_49 = arith.constant 0 : index
      %get3A_50 = tpu.vector_load %arg6[%get3A_47, %get3A_48, %get3A_49] {strides = array<i32>} : memref<64x2x112xi32, #tpu.memory_space<vmem>>, vector<1x1x16xi32>,
      %get3A_51 = vector.shape_cast %get3A_50 : vector<1x1x16xi32> to vector<16xi32>
      %shift_left3A = arith.constant 16 : i32
      %shift_left3A_52 = vector.broadcast %shift_left3A : i32 to vector<16xi32>
      %shift_left3A_53 = arith.shli %get3A_51, %shift_left3A_52 : vector<16xi32>
      %bitcast_convert_type3A = tpu.bitcast %shift_left3A_53 : vector<16xi32> -> vector<16xf32>
      %and3A = arith.andi %get3A_51, %broadcast_in_dim3A_46 : vector<16xi32>
      %bitcast_convert_type3A_54 = tpu.bitcast %and3A : vector<16xi32> -> vector<16xf32>
      %add3A_55 = arith.addf %broadcast_in_dim3A_42, %bitcast_convert_type3A : vector<16xf32>
      %add3A_56 = arith.addf %broadcast_in_dim3A_44, %bitcast_convert_type3A_54 : vector<16xf32>
      %get3A_57 = arith.constant 0 : i32
      %get3A_58 = arith.index_cast %scan3A_41 : i32 to index
      %get3A_59 = arith.index_cast %get3A_57 : i32 to index
      %get3A_60 = arith.constant 16 : index
      %get3A_61 = tpu.vector_load %arg6[%get3A_58, %get3A_59, %get3A_60] {strides = array<i32>} : memref<64x2x112xi32, #tpu.memory_space<vmem>>, vector<1x1x16xi32>,
      %get3A_62 = vector.shape_cast %get3A_61 : vector<1x1x16xi32> to vector<16xi32>
      %shift_left3A_63 = arith.constant 16 : i32
      %shift_left3A_64 = vector.broadcast %shift_left3A_63 : i32 to vector<16xi32>
      %shift_left3A_65 = arith.shli %get3A_62, %shift_left3A_64 : vector<16xi32>
      %bitcast_convert_type3A_66 = tpu.bitcast %shift_left3A_65 : vector<16xi32> -> vector<16xf32>
      %and3A_67 = arith.andi %get3A_62, %broadcast_in_dim3A_46 : vector<16xi32>
      %bitcast_convert_type3A_68 = tpu.bitcast %and3A_67 : vector<16xi32> -> vector<16xf32>
      %add3A_69 = arith.addf %add3A_55, %bitcast_convert_type3A_66 : vector<16xf32>
      %add3A_70 = arith.addf %add3A_56, %bitcast_convert_type3A_68 : vector<16xf32>
      %get3A_71 = arith.constant 0 : i32
      %get3A_72 = arith.index_cast %scan3A_41 : i32 to index
      %get3A_73 = arith.index_cast %get3A_71 : i32 to index
      %get3A_74 = arith.constant 32 : index
      %get3A_75 = tpu.vector_load %arg6[%get3A_72, %get3A_73, %get3A_74] {strides = array<i32>} : memref<64x2x112xi32, #tpu.memory_space<vmem>>, vector<1x1x16xi32>,
      %get3A_76 = vector.shape_cast %get3A_75 : vector<1x1x16xi32> to vector<16xi32>
      %shift_left3A_77 = arith.constant 16 : i32
      %shift_left3A_78 = vector.broadcast %shift_left3A_77 : i32 to vector<16xi32>
      %shift_left3A_79 = arith.shli %get3A_76, %shift_left3A_78 : vector<16xi32>
      %bitcast_convert_type3A_80 = tpu.bitcast %shift_left3A_79 : vector<16xi32> -> vector<16xf32>
      %and3A_81 = arith.andi %get3A_76, %broadcast_in_dim3A_46 : vector<16xi32>
      %bitcast_convert_type3A_82 = tpu.bitcast %and3A_81 : vector<16xi32> -> vector<16xf32>
      %add3A_83 = arith.addf %add3A_69, %bitcast_convert_type3A_80 : vector<16xf32>
      %add3A_84 = arith.addf %add3A_70, %bitcast_convert_type3A_82 : vector<16xf32>
      %get3A_85 = arith.constant 0 : i32
      %get3A_86 = arith.index_cast %scan3A_41 : i32 to index
      %get3A_87 = arith.index_cast %get3A_85 : i32 to index
      %get3A_88 = arith.constant 48 : index
      %get3A_89 = tpu.vector_load %arg6[%get3A_86, %get3A_87, %get3A_88] {strides = array<i32>} : memref<64x2x112xi32, #tpu.memory_space<vmem>>, vector<1x1x16xi32>,
      %get3A_90 = vector.shape_cast %get3A_89 : vector<1x1x16xi32> to vector<16xi32>
      %shift_left3A_91 = arith.constant 16 : i32
      %shift_left3A_92 = vector.broadcast %shift_left3A_91 : i32 to vector<16xi32>
      %shift_left3A_93 = arith.shli %get3A_90, %shift_left3A_92 : vector<16xi32>
      %bitcast_convert_type3A_94 = tpu.bitcast %shift_left3A_93 : vector<16xi32> -> vector<16xf32>
      %and3A_95 = arith.andi %get3A_90, %broadcast_in_dim3A_46 : vector<16xi32>
      %bitcast_convert_type3A_96 = tpu.bitcast %and3A_95 : vector<16xi32> -> vector<16xf32>
      %add3A_97 = arith.addf %add3A_83, %bitcast_convert_type3A_94 : vector<16xf32>
      %add3A_98 = arith.addf %add3A_84, %bitcast_convert_type3A_96 : vector<16xf32>
      %get3A_99 = arith.constant 0 : i32
      %get3A_100 = arith.index_cast %scan3A_41 : i32 to index
      %get3A_101 = arith.index_cast %get3A_99 : i32 to index
      %get3A_102 = arith.constant 64 : index
      %get3A_103 = tpu.vector_load %arg6[%get3A_100, %get3A_101, %get3A_102] {strides = array<i32>} : memref<64x2x112xi32, #tpu.memory_space<vmem>>, vector<1x1x16xi32>,
      %get3A_104 = vector.shape_cast %get3A_103 : vector<1x1x16xi32> to vector<16xi32>
      %shift_left3A_105 = arith.constant 16 : i32
      %shift_left3A_106 = vector.broadcast %shift_left3A_105 : i32 to vector<16xi32>
      %shift_left3A_107 = arith.shli %get3A_104, %shift_left3A_106 : vector<16xi32>
      %bitcast_convert_type3A_108 = tpu.bitcast %shift_left3A_107 : vector<16xi32> -> vector<16xf32>
      %and3A_109 = arith.andi %get3A_104, %broadcast_in_dim3A_46 : vector<16xi32>
      %bitcast_convert_type3A_110 = tpu.bitcast %and3A_109 : vector<16xi32> -> vector<16xf32>
      %add3A_111 = arith.addf %add3A_97, %bitcast_convert_type3A_108 : vector<16xf32>
      %add3A_112 = arith.addf %add3A_98, %bitcast_convert_type3A_110 : vector<16xf32>
      %get3A_113 = arith.constant 0 : i32
      %get3A_114 = arith.index_cast %scan3A_41 : i32 to index
      %get3A_115 = arith.index_cast %get3A_113 : i32 to index
      %get3A_116 = arith.constant 80 : index
      %get3A_117 = tpu.vector_load %arg6[%get3A_114, %get3A_115, %get3A_116] {strides = array<i32>} : memref<64x2x112xi32, #tpu.memory_space<vmem>>, vector<1x1x16xi32>,
      %get3A_118 = vector.shape_cast %get3A_117 : vector<1x1x16xi32> to vector<16xi32>
      %shift_left3A_119 = arith.constant 16 : i32
      %shift_left3A_120 = vector.broadcast %shift_left3A_119 : i32 to vector<16xi32>
      %shift_left3A_121 = arith.shli %get3A_118, %shift_left3A_120 : vector<16xi32>
      %bitcast_convert_type3A_122 = tpu.bitcast %shift_left3A_121 : vector<16xi32> -> vector<16xf32>
      %and3A_123 = arith.andi %get3A_118, %broadcast_in_dim3A_46 : vector<16xi32>
      %bitcast_convert_type3A_124 = tpu.bitcast %and3A_123 : vector<16xi32> -> vector<16xf32>
      %add3A_125 = arith.addf %add3A_111, %bitcast_convert_type3A_122 : vector<16xf32>
      %add3A_126 = arith.addf %add3A_112, %bitcast_convert_type3A_124 : vector<16xf32>
      %get3A_127 = arith.constant 0 : i32
      %get3A_128 = arith.index_cast %scan3A_41 : i32 to index
      %get3A_129 = arith.index_cast %get3A_127 : i32 to index
      %get3A_130 = arith.constant 96 : index
      %get3A_131 = tpu.vector_load %arg6[%get3A_128, %get3A_129, %get3A_130] {strides = array<i32>} : memref<64x2x112xi32, #tpu.memory_space<vmem>>, vector<1x1x16xi32>,
      %get3A_132 = vector.shape_cast %get3A_131 : vector<1x1x16xi32> to vector<16xi32>
      %shift_left3A_133 = arith.constant 16 : i32
      %shift_left3A_134 = vector.broadcast %shift_left3A_133 : i32 to vector<16xi32>
      %shift_left3A_135 = arith.shli %get3A_132, %shift_left3A_134 : vector<16xi32>
      %bitcast_convert_type3A_136 = tpu.bitcast %shift_left3A_135 : vector<16xi32> -> vector<16xf32>
      %and3A_137 = arith.andi %get3A_132, %broadcast_in_dim3A_46 : vector<16xi32>
      %bitcast_convert_type3A_138 = tpu.bitcast %and3A_137 : vector<16xi32> -> vector<16xf32>
      %add3A_139 = arith.addf %add3A_125, %bitcast_convert_type3A_136 : vector<16xf32>
      %add3A_140 = arith.addf %add3A_126, %bitcast_convert_type3A_138 : vector<16xf32>
      %get3A_141 = arith.constant 1 : i32
      %get3A_142 = arith.index_cast %scan3A_41 : i32 to index
      %get3A_143 = arith.index_cast %get3A_141 : i32 to index
      %get3A_144 = arith.constant 0 : index
      %get3A_145 = tpu.vector_load %arg6[%get3A_142, %get3A_143, %get3A_144] {strides = array<i32>} : memref<64x2x112xi32, #tpu.memory_space<vmem>>, vector<1x1x16xi32>,
      %get3A_146 = vector.shape_cast %get3A_145 : vector<1x1x16xi32> to vector<16xi32>
      %shift_left3A_147 = arith.constant 16 : i32
      %shift_left3A_148 = vector.broadcast %shift_left3A_147 : i32 to vector<16xi32>
      %shift_left3A_149 = arith.shli %get3A_146, %shift_left3A_148 : vector<16xi32>
      %bitcast_convert_type3A_150 = tpu.bitcast %shift_left3A_149 : vector<16xi32> -> vector<16xf32>
      %and3A_151 = arith.andi %get3A_146, %broadcast_in_dim3A_46 : vector<16xi32>
      %bitcast_convert_type3A_152 = tpu.bitcast %and3A_151 : vector<16xi32> -> vector<16xf32>
      %add3A_153 = arith.addf %add3A_139, %bitcast_convert_type3A_150 : vector<16xf32>
      %add3A_154 = arith.addf %add3A_140, %bitcast_convert_type3A_152 : vector<16xf32>
      %get3A_155 = arith.constant 1 : i32
      %get3A_156 = arith.index_cast %scan3A_41 : i32 to index
      %get3A_157 = arith.index_cast %get3A_155 : i32 to index
      %get3A_158 = arith.constant 16 : index
      %get3A_159 = tpu.vector_load %arg6[%get3A_156, %get3A_157, %get3A_158] {strides = array<i32>} : memref<64x2x112xi32, #tpu.memory_space<vmem>>, vector<1x1x16xi32>,
      %get3A_160 = vector.shape_cast %get3A_159 : vector<1x1x16xi32> to vector<16xi32>
      %shift_left3A_161 = arith.constant 16 : i32
      %shift_left3A_162 = vector.broadcast %shift_left3A_161 : i32 to vector<16xi32>
      %shift_left3A_163 = arith.shli %get3A_160, %shift_left3A_162 : vector<16xi32>
      %bitcast_convert_type3A_164 = tpu.bitcast %shift_left3A_163 : vector<16xi32> -> vector<16xf32>
      %and3A_165 = arith.andi %get3A_160, %broadcast_in_dim3A_46 : vector<16xi32>
      %bitcast_convert_type3A_166 = tpu.bitcast %and3A_165 : vector<16xi32> -> vector<16xf32>
      %add3A_167 = arith.addf %add3A_153, %bitcast_convert_type3A_164 : vector<16xf32>
      %add3A_168 = arith.addf %add3A_154, %bitcast_convert_type3A_166 : vector<16xf32>
      %get3A_169 = arith.constant 1 : i32
      %get3A_170 = arith.index_cast %scan3A_41 : i32 to index
      %get3A_171 = arith.index_cast %get3A_169 : i32 to index
      %get3A_172 = arith.constant 32 : index
      %get3A_173 = tpu.vector_load %arg6[%get3A_170, %get3A_171, %get3A_172] {strides = array<i32>} : memref<64x2x112xi32, #tpu.memory_space<vmem>>, vector<1x1x16xi32>,
      %get3A_174 = vector.shape_cast %get3A_173 : vector<1x1x16xi32> to vector<16xi32>
      %shift_left3A_175 = arith.constant 16 : i32
      %shift_left3A_176 = vector.broadcast %shift_left3A_175 : i32 to vector<16xi32>
      %shift_left3A_177 = arith.shli %get3A_174, %shift_left3A_176 : vector<16xi32>
      %bitcast_convert_type3A_178 = tpu.bitcast %shift_left3A_177 : vector<16xi32> -> vector<16xf32>
      %and3A_179 = arith.andi %get3A_174, %broadcast_in_dim3A_46 : vector<16xi32>
      %bitcast_convert_type3A_180 = tpu.bitcast %and3A_179 : vector<16xi32> -> vector<16xf32>
      %add3A_181 = arith.addf %add3A_167, %bitcast_convert_type3A_178 : vector<16xf32>
      %add3A_182 = arith.addf %add3A_168, %bitcast_convert_type3A_180 : vector<16xf32>
      %get3A_183 = arith.constant 1 : i32
      %get3A_184 = arith.index_cast %scan3A_41 : i32 to index
      %get3A_185 = arith.index_cast %get3A_183 : i32 to index
      %get3A_186 = arith.constant 48 : index
      %get3A_187 = tpu.vector_load %arg6[%get3A_184, %get3A_185, %get3A_186] {strides = array<i32>} : memref<64x2x112xi32, #tpu.memory_space<vmem>>, vector<1x1x16xi32>,
      %get3A_188 = vector.shape_cast %get3A_187 : vector<1x1x16xi32> to vector<16xi32>
      %shift_left3A_189 = arith.constant 16 : i32
      %shift_left3A_190 = vector.broadcast %shift_left3A_189 : i32 to vector<16xi32>
      %shift_left3A_191 = arith.shli %get3A_188, %shift_left3A_190 : vector<16xi32>
      %bitcast_convert_type3A_192 = tpu.bitcast %shift_left3A_191 : vector<16xi32> -> vector<16xf32>
      %and3A_193 = arith.andi %get3A_188, %broadcast_in_dim3A_46 : vector<16xi32>
      %bitcast_convert_type3A_194 = tpu.bitcast %and3A_193 : vector<16xi32> -> vector<16xf32>
      %add3A_195 = arith.addf %add3A_181, %bitcast_convert_type3A_192 : vector<16xf32>
      %add3A_196 = arith.addf %add3A_182, %bitcast_convert_type3A_194 : vector<16xf32>
      %get3A_197 = arith.constant 1 : i32
      %get3A_198 = arith.index_cast %scan3A_41 : i32 to index
      %get3A_199 = arith.index_cast %get3A_197 : i32 to index
      %get3A_200 = arith.constant 64 : index
      %get3A_201 = tpu.vector_load %arg6[%get3A_198, %get3A_199, %get3A_200] {strides = array<i32>} : memref<64x2x112xi32, #tpu.memory_space<vmem>>, vector<1x1x16xi32>,
      %get3A_202 = vector.shape_cast %get3A_201 : vector<1x1x16xi32> to vector<16xi32>
      %shift_left3A_203 = arith.constant 16 : i32
      %shift_left3A_204 = vector.broadcast %shift_left3A_203 : i32 to vector<16xi32>
      %shift_left3A_205 = arith.shli %get3A_202, %shift_left3A_204 : vector<16xi32>
      %bitcast_convert_type3A_206 = tpu.bitcast %shift_left3A_205 : vector<16xi32> -> vector<16xf32>
      %and3A_207 = arith.andi %get3A_202, %broadcast_in_dim3A_46 : vector<16xi32>
      %bitcast_convert_type3A_208 = tpu.bitcast %and3A_207 : vector<16xi32> -> vector<16xf32>
      %add3A_209 = arith.addf %add3A_195, %bitcast_convert_type3A_206 : vector<16xf32>
      %add3A_210 = arith.addf %add3A_196, %bitcast_convert_type3A_208 : vector<16xf32>
      %get3A_211 = arith.constant 1 : i32
      %get3A_212 = arith.index_cast %scan3A_41 : i32 to index
      %get3A_213 = arith.index_cast %get3A_211 : i32 to index
      %get3A_214 = arith.constant 80 : index
      %get3A_215 = tpu.vector_load %arg6[%get3A_212, %get3A_213, %get3A_214] {strides = array<i32>} : memref<64x2x112xi32, #tpu.memory_space<vmem>>, vector<1x1x16xi32>,
      %get3A_216 = vector.shape_cast %get3A_215 : vector<1x1x16xi32> to vector<16xi32>
      %shift_left3A_217 = arith.constant 16 : i32
      %shift_left3A_218 = vector.broadcast %shift_left3A_217 : i32 to vector<16xi32>
      %shift_left3A_219 = arith.shli %get3A_216, %shift_left3A_218 : vector<16xi32>
      %bitcast_convert_type3A_220 = tpu.bitcast %shift_left3A_219 : vector<16xi32> -> vector<16xf32>
      %and3A_221 = arith.andi %get3A_216, %broadcast_in_dim3A_46 : vector<16xi32>
      %bitcast_convert_type3A_222 = tpu.bitcast %and3A_221 : vector<16xi32> -> vector<16xf32>
      %add3A_223 = arith.addf %add3A_209, %bitcast_convert_type3A_220 : vector<16xf32>
      %add3A_224 = arith.addf %add3A_210, %bitcast_convert_type3A_222 : vector<16xf32>
      %get3A_225 = arith.constant 1 : i32
      %get3A_226 = arith.index_cast %scan3A_41 : i32 to index
      %get3A_227 = arith.index_cast %get3A_225 : i32 to index
      %get3A_228 = arith.constant 96 : index
      %get3A_229 = tpu.vector_load %arg6[%get3A_226, %get3A_227, %get3A_228] {strides = array<i32>} : memref<64x2x112xi32, #tpu.memory_space<vmem>>, vector<1x1x16xi32>,
      %get3A_230 = vector.shape_cast %get3A_229 : vector<1x1x16xi32> to vector<16xi32>
      %shift_left3A_231 = arith.constant 16 : i32
      %shift_left3A_232 = vector.broadcast %shift_left3A_231 : i32 to vector<16xi32>
      %shift_left3A_233 = arith.shli %get3A_230, %shift_left3A_232 : vector<16xi32>
      %bitcast_convert_type3A_234 = tpu.bitcast %shift_left3A_233 : vector<16xi32> -> vector<16xf32>
      %and3A_235 = arith.andi %get3A_230, %broadcast_in_dim3A_46 : vector<16xi32>
      %bitcast_convert_type3A_236 = tpu.bitcast %and3A_235 : vector<16xi32> -> vector<16xf32>
      %add3A_237 = arith.addf %add3A_223, %bitcast_convert_type3A_234 : vector<16xf32>
      %add3A_238 = arith.addf %add3A_224, %bitcast_convert_type3A_236 : vector<16xf32>
      %swap3A = arith.index_cast %scan3A_41 : i32 to index
      %swap3A_239 = arith.constant 0 : index
      %swap3A_240 = tpu.vector_load %arg7[%swap3A, %swap3A_239] {strides = array<i32>} : memref<64x32xf32, #tpu.memory_space<vmem>>, vector<1x16xf32>,
      %swap3A_241 = vector.shape_cast %swap3A_240 : vector<1x16xf32> to vector<16xf32>
      %swap3A_242 = vector.shape_cast %add3A_237 : vector<16xf32> to vector<1x16xf32>
      tpu.vector_store %arg7[%swap3A, %swap3A_239], %swap3A_242 {strides = array<i32>} : memref<64x32xf32, #tpu.memory_space<vmem>>, vector<1x16xf32>,
      %swap3A_243 = arith.index_cast %scan3A_41 : i32 to index
      %swap3A_244 = arith.constant 16 : index
      %swap3A_245 = tpu.vector_load %arg7[%swap3A_243, %swap3A_244] {strides = array<i32>} : memref<64x32xf32, #tpu.memory_space<vmem>>, vector<1x16xf32>,
      %swap3A_246 = vector.shape_cast %swap3A_245 : vector<1x16xf32> to vector<16xf32>
      %swap3A_247 = vector.shape_cast %add3A_238 : vector<16xf32> to vector<1x16xf32>
      tpu.vector_store %arg7[%swap3A_243, %swap3A_244], %swap3A_247 {strides = array<i32>} : memref<64x32xf32, #tpu.memory_space<vmem>>, vector<1x16xf32>,
    }
    %scan3A_38 = arith.constant 64 : i32
    %mul3A_39 = arith.constant 64 : i32
    %mul3A_40 = arith.muli %arg1, %mul3A_39 : i32
    "tpu.region"() ({
      %run_scoped3A = tpu.sem_alloc : memref<!tpu.dma_semaphore, #tpu.memory_space<semaphore_mem>>
      %dma_start3A = arith.constant 0 : i32
      %dma_start3A_41 = tpu.memref_slice %arg4[%arg0, %mul3A_40, %dma_start3A] : memref<2x1024x32xf32, #tpu.memory_space<hbm>> -> memref<1x64x32xf32, #tpu.memory_space<hbm>>
      %dma_start3A_42 = tpu.memref_squeeze %dma_start3A_41 : memref<1x64x32xf32, #tpu.memory_space<hbm>> -> memref<64x32xf32, #tpu.memory_space<hbm>>
      %dma_start3A_43 = arith.constant 0 : i32
      %dma_start3A_44 = tpu.memref_slice %arg4[%arg0, %mul3A_40, %dma_start3A_43] : memref<2x1024x32xf32, #tpu.memory_space<hbm>> -> memref<1x64x32xf32, #tpu.memory_space<hbm>>
      %dma_start3A_45 = tpu.memref_squeeze %dma_start3A_44 : memref<1x64x32xf32, #tpu.memory_space<hbm>> -> memref<64x32xf32, #tpu.memory_space<hbm>>
      tpu.enqueue_dma source(%arg7 : memref<64x32xf32, #tpu.memory_space<vmem>>) target(%dma_start3A_45 : memref<64x32xf32, #tpu.memory_space<hbm>>) target_semaphore(%run_scoped3A : memref<!tpu.dma_semaphore, #tpu.memory_space<semaphore_mem>>)
      %dma_wait3A = arith.constant 0 : i32
      %dma_wait3A_46 = tpu.memref_slice %arg4[%arg0, %mul3A_40, %dma_wait3A] : memref<2x1024x32xf32, #tpu.memory_space<hbm>> -> memref<1x64x32xf32, #tpu.memory_space<hbm>>
      %dma_wait3A_47 = tpu.memref_squeeze %dma_wait3A_46 : memref<1x64x32xf32, #tpu.memory_space<hbm>> -> memref<64x32xf32, #tpu.memory_space<hbm>>
      %dma_wait3A_48 = arith.constant 0 : i32
      %dma_wait3A_49 = tpu.memref_slice %arg4[%arg0, %mul3A_40, %dma_wait3A_48] : memref<2x1024x32xf32, #tpu.memory_space<hbm>> -> memref<1x64x32xf32, #tpu.memory_space<hbm>>
      %dma_wait3A_50 = tpu.memref_squeeze %dma_wait3A_49 : memref<1x64x32xf32, #tpu.memory_space<hbm>> -> memref<64x32xf32, #tpu.memory_space<hbm>>
      tpu.wait_dma2 semaphore(%run_scoped3A : memref<!tpu.dma_semaphore, #tpu.memory_space<semaphore_mem>>) src(%arg7 : memref<64x32xf32, #tpu.memory_space<vmem>>) dst(%dma_wait3A_50 : memref<64x32xf32, #tpu.memory_space<hbm>>)
      tpu.yield
    }) : () -> ()
    return
  }
}

module attributes {stable_mosaic.version = 14 : i64} {
  func.func @body(%arg0: i32, %arg1: memref<32x32768xf32, #tpu.memory_space<vmem>>, %arg2: memref<32x32768xf32, #tpu.memory_space<vmem>>, %arg3: memref<32x32768xf32, #tpu.memory_space<vmem>>, %arg4: memref<96x256xf32, #tpu.memory_space<vmem>>, %arg5: memref<1x256xf32, #tpu.memory_space<vmem>>, %arg6: memref<256x2xf32, #tpu.memory_space<vmem>>, %arg7: memref<1x2xf32, #tpu.memory_space<vmem>>, %arg8: memref<32768xi32, #tpu.memory_space<vmem>>, %arg9: memref<1x2xf32, #tpu.memory_space<vmem>>) attributes {dimension_semantics = [#tpu.dimension_semantics<arbitrary>], iteration_bounds = array<i64: 31>, scalar_prefetch = 0 : i64, scratch_operands = 0 : i64, tpu.core_type = #tpu.core_type<tc>, window_params = [{transform_indices = @transform_0, window_bounds = array<i64: 32, 32768>}, {transform_indices = @transform_1, window_bounds = array<i64: 32, 32768>}, {transform_indices = @transform_2, window_bounds = array<i64: 32, 32768>}, {pipeline_mode = #tpu.pipeline_mode<synchronous>, transform_indices = @transform_3, window_bounds = array<i64: 96, 256>}, {pipeline_mode = #tpu.pipeline_mode<synchronous>, transform_indices = @transform_4, window_bounds = array<i64: 1, 256>}, {pipeline_mode = #tpu.pipeline_mode<synchronous>, transform_indices = @transform_5, window_bounds = array<i64: 256, 2>}, {pipeline_mode = #tpu.pipeline_mode<synchronous>, transform_indices = @transform_6, window_bounds = array<i64: 1, 2>}, {transform_indices = @transform_7, window_bounds = array<i64: 32768>}, {pipeline_mode = #tpu.pipeline_mode<synchronous>, transform_indices = @transform_8, window_bounds = array<i64: 1, 2>}]} {
    %get3A = arith.constant 0 : index
    %get3A_0 = arith.constant 0 : index
    %get3A_1 = vector.load %arg4[%get3A, %get3A_0] : memref<96x256xf32, #tpu.memory_space<vmem>>, vector<96x256xf32>
    %get3A_2 = arith.constant 0 : index
    %get3A_3 = arith.constant 0 : index
    %get3A_4 = vector.load %arg6[%get3A_2, %get3A_3] : memref<256x2xf32, #tpu.memory_space<vmem>>, vector<256x2xf32>
    %dot_general3A = arith.constant dense<0.000000e+00> : vector<96x2xf32>
    %dot_general3A_5 = tpu.matmul %get3A_1, %get3A_4, %dot_general3A {dimension_numbers = #tpu.dot_dimension_numbers<[1], [0], [0], [1], [0, 0, 1, 1], [], []>, transpose_lhs_hint = false} : vector<96x256xf32>, vector<256x2xf32>, vector<96x2xf32> -> vector<96x2xf32>
    %slice3A = vector.extract_strided_slice %dot_general3A_5 {offsets = [0, 0], sizes = [32, 2], strides = [1, 1]} : vector<96x2xf32> to vector<32x2xf32>
    %get3A_6 = arith.constant 0 : index
    %get3A_7 = arith.constant 0 : index
    %get3A_8 = vector.load %arg1[%get3A_6, %get3A_7] : memref<32x32768xf32, #tpu.memory_space<vmem>>, vector<32x32768xf32>
    %dot_general3A_9 = arith.constant dense<0.000000e+00> : vector<2x32768xf32>
    %dot_general3A_10 = tpu.matmul %slice3A, %get3A_8, %dot_general3A_9 {dimension_numbers = #tpu.dot_dimension_numbers<[0], [0], [1], [1], [0, 1, 1, 1], [], []>, transpose_lhs_hint = false} : vector<32x2xf32>, vector<32x32768xf32>, vector<2x32768xf32> -> vector<2x32768xf32>
    %slice3A_11 = vector.extract_strided_slice %dot_general3A_5 {offsets = [32, 0], sizes = [32, 2], strides = [1, 1]} : vector<96x2xf32> to vector<32x2xf32>
    %get3A_12 = arith.constant 0 : index
    %get3A_13 = arith.constant 0 : index
    %get3A_14 = vector.load %arg2[%get3A_12, %get3A_13] : memref<32x32768xf32, #tpu.memory_space<vmem>>, vector<32x32768xf32>
    %dot_general3A_15 = arith.constant dense<0.000000e+00> : vector<2x32768xf32>
    %dot_general3A_16 = tpu.matmul %slice3A_11, %get3A_14, %dot_general3A_15 {dimension_numbers = #tpu.dot_dimension_numbers<[0], [0], [1], [1], [0, 1, 1, 1], [], []>, transpose_lhs_hint = false} : vector<32x2xf32>, vector<32x32768xf32>, vector<2x32768xf32> -> vector<2x32768xf32>
    %add3A = arith.addf %dot_general3A_10, %dot_general3A_16 : vector<2x32768xf32>
    %slice3A_17 = vector.extract_strided_slice %dot_general3A_5 {offsets = [64, 0], sizes = [32, 2], strides = [1, 1]} : vector<96x2xf32> to vector<32x2xf32>
    %get3A_18 = arith.constant 0 : index
    %get3A_19 = arith.constant 0 : index
    %get3A_20 = vector.load %arg3[%get3A_18, %get3A_19] : memref<32x32768xf32, #tpu.memory_space<vmem>>, vector<32x32768xf32>
    %dot_general3A_21 = arith.constant dense<0.000000e+00> : vector<2x32768xf32>
    %dot_general3A_22 = tpu.matmul %slice3A_17, %get3A_20, %dot_general3A_21 {dimension_numbers = #tpu.dot_dimension_numbers<[0], [0], [1], [1], [0, 1, 1, 1], [], []>, transpose_lhs_hint = false} : vector<32x2xf32>, vector<32x32768xf32>, vector<2x32768xf32> -> vector<2x32768xf32>
    %add3A_23 = arith.addf %add3A, %dot_general3A_22 : vector<2x32768xf32>
    %slice3A_24 = vector.extract_strided_slice %add3A_23 {offsets = [0, 0], sizes = [1, 32768], strides = [1, 1]} : vector<2x32768xf32> to vector<1x32768xf32>
    %squeeze3A = vector.shape_cast %slice3A_24 : vector<1x32768xf32> to vector<32768xf32>
    %convert_element_type3A = arith.truncf %squeeze3A : vector<32768xf32> to vector<32768xbf16>
    %bitcast_convert_type3A = tpu.bitcast %convert_element_type3A : vector<32768xbf16> -> vector<32768xi16>
    %convert_element_type3A_25 = arith.extui %bitcast_convert_type3A : vector<32768xi16> to vector<32768xi32>
    %slice3A_26 = vector.extract_strided_slice %add3A_23 {offsets = [1, 0], sizes = [1, 32768], strides = [1, 1]} : vector<2x32768xf32> to vector<1x32768xf32>
    %squeeze3A_27 = vector.shape_cast %slice3A_26 : vector<1x32768xf32> to vector<32768xf32>
    %convert_element_type3A_28 = arith.truncf %squeeze3A_27 : vector<32768xf32> to vector<32768xbf16>
    %bitcast_convert_type3A_29 = tpu.bitcast %convert_element_type3A_28 : vector<32768xbf16> -> vector<32768xi16>
    %convert_element_type3A_30 = arith.extui %bitcast_convert_type3A_29 : vector<32768xi16> to vector<32768xi32>
    %shift_left3A = arith.constant 16 : i32
    %shift_left3A_31 = vector.broadcast %shift_left3A : i32 to vector<32768xi32>
    %shift_left3A_32 = arith.shli %convert_element_type3A_30, %shift_left3A_31 : vector<32768xi32>
    %or3A = arith.ori %shift_left3A_32, %convert_element_type3A_25 : vector<32768xi32>
    %swap3A = arith.constant 0 : index
    %swap3A_33 = vector.load %arg8[%swap3A] : memref<32768xi32, #tpu.memory_space<vmem>>, vector<32768xi32>
    tpu.vector_store %arg8[%swap3A], %or3A {strides = array<i32>} : memref<32768xi32, #tpu.memory_space<vmem>>, vector<32768xi32>,
    %eq3A = arith.constant 0 : i32
    %eq3A_34 = arith.cmpi eq, %arg0, %eq3A : i32
    %convert_element_type3A_35 = arith.extui %eq3A_34 : i1 to i32
    %cond3A = arith.constant 0 : i32
    %cond3A_36 = arith.cmpi ne, %convert_element_type3A_35, %cond3A : i32
    scf.if %cond3A_36 {
      %get3A_37 = arith.constant 0 : index
      %get3A_38 = arith.constant 0 : index
      %get3A_39 = vector.load %arg5[%get3A_37, %get3A_38] : memref<1x256xf32, #tpu.memory_space<vmem>>, vector<1x256xf32>
      %get3A_40 = arith.constant 0 : index
      %get3A_41 = arith.constant 0 : index
      %get3A_42 = vector.load %arg6[%get3A_40, %get3A_41] : memref<256x2xf32, #tpu.memory_space<vmem>>, vector<256x2xf32>
      %dot_general3A_43 = arith.constant dense<0.000000e+00> : vector<1x2xf32>
      %dot_general3A_44 = tpu.matmul %get3A_39, %get3A_42, %dot_general3A_43 {dimension_numbers = #tpu.dot_dimension_numbers<[1], [0], [0], [1], [0, 0, 1, 1], [], []>, transpose_lhs_hint = false} : vector<1x256xf32>, vector<256x2xf32>, vector<1x2xf32> -> vector<1x2xf32>
      %get3A_45 = arith.constant 0 : index
      %get3A_46 = arith.constant 0 : index
      %get3A_47 = vector.load %arg7[%get3A_45, %get3A_46] : memref<1x2xf32, #tpu.memory_space<vmem>>, vector<1x2xf32>
      %add3A_48 = arith.addf %dot_general3A_44, %get3A_47 : vector<1x2xf32>
      %swap3A_49 = arith.constant 0 : index
      %swap3A_50 = arith.constant 0 : index
      %swap3A_51 = vector.load %arg9[%swap3A_49, %swap3A_50] : memref<1x2xf32, #tpu.memory_space<vmem>>, vector<1x2xf32>
      tpu.vector_store %arg9[%swap3A_49, %swap3A_50], %add3A_48 {strides = array<i32>} : memref<1x2xf32, #tpu.memory_space<vmem>>, vector<1x2xf32>,
    } else {
    }
    return
  }
  func.func @transform_0(%arg0: i32) -> (i32, i32) {
    %c0_i32 = arith.constant 0 : i32
    %c0_i32_0 = arith.constant 0 : i32
    return %c0_i32, %arg0 : i32, i32
  }
  func.func @transform_1(%arg0: i32) -> (i32, i32) {
    %c0_i32 = arith.constant 0 : i32
    %c0_i32_0 = arith.constant 0 : i32
    return %c0_i32, %arg0 : i32, i32
  }
  func.func @transform_2(%arg0: i32) -> (i32, i32) {
    %c0_i32 = arith.constant 0 : i32
    %c0_i32_0 = arith.constant 0 : i32
    return %c0_i32, %arg0 : i32, i32
  }
  func.func @transform_3(%arg0: i32) -> (i32, i32) {
    %c0_i32 = arith.constant 0 : i32
    %c0_i32_0 = arith.constant 0 : i32
    %c0_i32_1 = arith.constant 0 : i32
    return %c0_i32, %c0_i32_0 : i32, i32
  }
  func.func @transform_4(%arg0: i32) -> (i32, i32) {
    %c0_i32 = arith.constant 0 : i32
    %c0_i32_0 = arith.constant 0 : i32
    %c0_i32_1 = arith.constant 0 : i32
    return %c0_i32, %c0_i32_0 : i32, i32
  }
  func.func @transform_5(%arg0: i32) -> (i32, i32) {
    %c0_i32 = arith.constant 0 : i32
    %c0_i32_0 = arith.constant 0 : i32
    %c0_i32_1 = arith.constant 0 : i32
    return %c0_i32, %c0_i32_0 : i32, i32
  }
  func.func @transform_6(%arg0: i32) -> (i32, i32) {
    %c0_i32 = arith.constant 0 : i32
    %c0_i32_0 = arith.constant 0 : i32
    %c0_i32_1 = arith.constant 0 : i32
    return %c0_i32, %c0_i32_0 : i32, i32
  }
  func.func @transform_7(%arg0: i32) -> i32 {
    %c0_i32 = arith.constant 0 : i32
    return %arg0 : i32
  }
  func.func @transform_8(%arg0: i32) -> (i32, i32) {
    %c0_i32 = arith.constant 0 : i32
    %c0_i32_0 = arith.constant 0 : i32
    %c0_i32_1 = arith.constant 0 : i32
    return %c0_i32, %c0_i32_0 : i32, i32
  }
}

module attributes {stable_mosaic.version = 14 : i64} {
  func.func @fin_body(%arg0: memref<2x1024x32xf32, #tpu.memory_space<vmem>>, %arg1: memref<1x2xf32, #tpu.memory_space<vmem>>, %arg2: memref<1024x2xf32, #tpu.memory_space<vmem>>) attributes {dimension_semantics = [], scalar_prefetch = 0 : i64, scratch_operands = 0 : i64, tpu.core_type = #tpu.core_type<tc>} {
    %iota3A = tpu.iota {dimensions = array<i32: 0>} : vector<32x2xi32>
    %iota3A_0 = tpu.iota {dimensions = array<i32: 1>} : vector<32x2xi32>
    %jit3A = arith.constant 16 : i32
    %div3A = vector.broadcast %jit3A : i32 to vector<32x2xi32>
    %div3A_1 = arith.divsi %iota3A, %div3A : vector<32x2xi32>
    %sign3A = arith.constant 0 : i32
    %sign3A_2 = vector.broadcast %sign3A : i32 to vector<32x2xi32>
    %sign3A_3 = arith.cmpi sgt, %iota3A, %sign3A_2 : vector<32x2xi32>
    %sign3A_4 = arith.extui %sign3A_3 : vector<32x2xi1> to vector<32x2xi32>
    %sign3A_5 = arith.constant 0 : i32
    %sign3A_6 = vector.broadcast %sign3A_5 : i32 to vector<32x2xi32>
    %sign3A_7 = arith.cmpi slt, %iota3A, %sign3A_6 : vector<32x2xi32>
    %sign3A_8 = arith.extui %sign3A_7 : vector<32x2xi1> to vector<32x2xi32>
    %sign3A_9 = arith.subi %sign3A_4, %sign3A_8 : vector<32x2xi32>
    %sign3A_10 = arith.constant 0 : i32
    %sign3A_11 = arith.cmpi sgt, %jit3A, %sign3A_10 : i32
    %sign3A_12 = arith.extui %sign3A_11 : i1 to i32
    %sign3A_13 = arith.constant 0 : i32
    %sign3A_14 = arith.cmpi slt, %jit3A, %sign3A_13 : i32
    %sign3A_15 = arith.extui %sign3A_14 : i1 to i32
    %sign3A_16 = arith.subi %sign3A_12, %sign3A_15 : i32
    %ne3A = vector.broadcast %sign3A_16 : i32 to vector<32x2xi32>
    %ne3A_17 = arith.cmpi ne, %sign3A_9, %ne3A : vector<32x2xi32>
    %rem3A = vector.broadcast %jit3A : i32 to vector<32x2xi32>
    %rem3A_18 = arith.remsi %iota3A, %rem3A : vector<32x2xi32>
    %ne3A_19 = arith.constant 0 : i32
    %ne3A_20 = vector.broadcast %ne3A_19 : i32 to vector<32x2xi32>
    %ne3A_21 = arith.cmpi ne, %rem3A_18, %ne3A_20 : vector<32x2xi32>
    %and3A = arith.andi %ne3A_17, %ne3A_21 : vector<32x2xi1>
    %sub3A = arith.constant 1 : i32
    %sub3A_22 = vector.broadcast %sub3A : i32 to vector<32x2xi32>
    %sub3A_23 = arith.subi %div3A_1, %sub3A_22 : vector<32x2xi32>
    %select_n3A = arith.select %and3A, %sub3A_23, %div3A_1 : vector<32x2xi1>, vector<32x2xi32>
    %eq3A = arith.cmpi eq, %select_n3A, %iota3A_0 : vector<32x2xi32>
    %jit3A_24 = arith.constant 1.000000e+00 : f32
    %jit3A_25 = arith.constant 0.000000e+00 : f32
    %broadcast_in_dim3A = vector.broadcast %jit3A_24 : f32 to vector<32x2xf32>
    %broadcast_in_dim3A_26 = vector.broadcast %jit3A_25 : f32 to vector<32x2xf32>
    %select_n3A_27 = arith.select %eq3A, %broadcast_in_dim3A, %broadcast_in_dim3A_26 : vector<32x2xi1>, vector<32x2xf32>
    %get3A = arith.constant 0 : index
    %get3A_28 = arith.constant 0 : index
    %get3A_29 = arith.constant 0 : index
    %get3A_30 = vector.load %arg0[%get3A, %get3A_28, %get3A_29] : memref<2x1024x32xf32, #tpu.memory_space<vmem>>, vector<1x1024x32xf32>
    %get3A_31 = vector.shape_cast %get3A_30 : vector<1x1024x32xf32> to vector<1024x32xf32>
    %get3A_32 = arith.constant 1 : index
    %get3A_33 = arith.constant 0 : index
    %get3A_34 = arith.constant 0 : index
    %get3A_35 = vector.load %arg0[%get3A_32, %get3A_33, %get3A_34] : memref<2x1024x32xf32, #tpu.memory_space<vmem>>, vector<1x1024x32xf32>
    %get3A_36 = vector.shape_cast %get3A_35 : vector<1x1024x32xf32> to vector<1024x32xf32>
    %add3A = arith.addf %get3A_31, %get3A_36 : vector<1024x32xf32>
    %dot_general3A = arith.constant dense<0.000000e+00> : vector<1024x2xf32>
    %dot_general3A_37 = tpu.matmul %add3A, %select_n3A_27, %dot_general3A {dimension_numbers = #tpu.dot_dimension_numbers<[1], [0], [0], [1], [0, 0, 1, 1], [], []>, transpose_lhs_hint = false} : vector<1024x32xf32>, vector<32x2xf32>, vector<1024x2xf32> -> vector<1024x2xf32>
    %mul3A = arith.constant 5.000000e-03 : f32
    %mul3A_38 = vector.broadcast %mul3A : f32 to vector<1024x2xf32>
    %mul3A_39 = arith.mulf %dot_general3A_37, %mul3A_38 : vector<1024x2xf32>
    %get3A_40 = arith.constant 0 : index
    %get3A_41 = arith.constant 0 : index
    %get3A_42 = vector.load %arg1[%get3A_40, %get3A_41] : memref<1x2xf32, #tpu.memory_space<vmem>>, vector<1x2xf32>
    %add3A_43 = vector.broadcast %get3A_42 : vector<1x2xf32> to vector<1024x2xf32>
    %add3A_44 = arith.addf %mul3A_39, %add3A_43 : vector<1024x2xf32>
    %max3A = arith.constant 0.000000e+00 : f32
    %max3A_45 = vector.broadcast %max3A : f32 to vector<1024x2xf32>
    %max3A_46 = arith.maximumf %add3A_44, %max3A_45 : vector<1024x2xf32>
    %swap3A = arith.constant 0 : index
    %swap3A_47 = arith.constant 0 : index
    %swap3A_48 = vector.load %arg2[%swap3A, %swap3A_47] : memref<1024x2xf32, #tpu.memory_space<vmem>>, vector<1024x2xf32>
    tpu.vector_store %arg2[%swap3A, %swap3A_47], %max3A_46 {strides = array<i32>} : memref<1024x2xf32, #tpu.memory_space<vmem>>, vector<1024x2xf32>,
    return
  }
}

</mosaic_0001>

<sc_bundles>
// kernel: kernel.5.cloned.1.call-start
scs
__scs_entry_jumppad:
0x0: {  	(pc) =	sbr.rel $0x88, $3  }
0x1: {  	(tag) =	ssettag $0x0;
	lr =	simm.s32 $0x1  }
0x2: {  	[smem:$0x3F99] =	sst lr;
	_ =	strace $0xD0000000  }
0x3: {  	_ = 	snop  }
0x4: {  	_ = 	snop  }
0x5: {  	_ = 	snop  }
0x6: {  	_ = 	snop  }
0x7: {  	_ = 	snop  }
__scs_overlays_trampoline_lowered:
0x8: {  	[smem:$0x3FA8] =	sst s0  }
0x9: {  	[smem:$0x3FA9] =	sst s1  }
0xa: {  	[smem:$0x3FAA] =	sst s2  }
0xb: {  	[smem:$0x3FAB] =	sst s3  }
0xc: {  	[smem:$0x3FAC] =	sst s4  }
0xd: {  	[smem:$0x3FAD] =	sst s5  }
0xe: {  	[smem:$0x3FAE] =	sst s6  }
0xf: {  	[smem:$0x3FAF] =	sst s7  }
0x10: {  	[smem:$0x3FB0] =	sst s8  }
0x11: {  	[smem:$0x3FB1] =	sst s9;
	s0 =	simm.s32 @!p0 $0x0  }
0x12: {  	s1 =	sld [smem:$0x3F97];
	s0 =	simm.s32 @p0 $0x1  }
0x13: {  	[smem:$0x3FB2] =	sst s0;
	s0 =	simm.s32 @!p1 $0x0  }
0x14: {  	s2 =	sld [smem:$0x3F96];
	s0 =	simm.s32 @p1 $0x1  }
0x15: {  	[smem:$0x3FB3] =	sst s0;
	s0 =	simm.s32 @!p2 $0x0  }
0x16: {  	s3 =	sld [smem:$0x3FDB];
	s0 =	simm.s32 @p2 $0x1  }
0x17: {  	s4 =	simm.s32 $0x1BF5;
	[smem:$0x3FB5] =	sst s0  }
0x18: {  	s0 =	sld [smem:$0x3F98];
	_ =	swait.ge [sflag:s4], $0x0  }
0x19: {  	s7 =	sld [smem:$0x3F99]  }
0x1a: {  	s8 =	sadd.s32 $0xFFFFE003, lr  }
0x1b: {  	s9 =	sadd.s32 $0xFFFFFEF7, lr;
	s5 =	simm.s32 $0xFFFFFFFF;
	p2 =	slt.u32 s8, $0xFFFFF086  }
0x1c: {  	p1 =	slt.u32 s9, $0xF7A;
	s5 =	simm.s32 @!p2 $0x0  }
0x1d: {  	s5 =	simm.s32 @p1 $0x1;
	p0 =	seq.s32 s7, s2  }
0x1e: {  	s7 =	smul.u32 @!p0 $0xF7A, s2;
	p2 =	seq.s32 @!p0 s5, $0x0  }
0x1f: {  	s9 =	smul.u32 $0xF7A, s1;
	s8 =	simm.s32 @!p0 $0x1BF5;
	p2 =	por !p2, p0  }
0x20: {  	[sflag:s8] =	ssyncset.s32 @!p0 $0xFFFFF086;
	s6 =	sadd.s32 @!p0 s3, s7;
	s7 =	simm.s32 @!p0 $0x108  }
0x21: {  	s3 =	sadd.s32 s3, s9;
	s6 =	sadd.s32 @!p0 $0x88, s6;
	s7 =	simm.s32 @p2 $0x1082  }
0x22: {  	[simem:s7], [sflag:s8] =	dma.local @!p0 [hbm:s6], $0xF7A  }
0x23: {  	s9 =	sor.u32 $0xD0000000, s2;
	s6 =	simm.s32 $0x108;
	_ =	swait.ge @!p0 [sflag:s8], $0x0  }
0x24: {  	s3 =	sadd.s32 $0x88, s3;
	s6 =	simm.s32 @!p1 $0x1082;
	[sflag:s4] =	ssyncset.s32 $0xFFFFF086  }
0x25: {  	[simem:s6], [sflag:s4] =	dma.local [hbm:s3], $0xF7A  }
0x26: {  	[smem:$0x3F99] =	sst s1;
	(tag) =	ssettag s2;
	_ =	strace s9  }
0x27: {  	s1 =	sld [smem:$0x3FA9]  }
0x28: {  	s2 =	sld [smem:$0x3FAA]  }
0x29: {  	s4 =	sld [smem:$0x3FAC]  }
0x2a: {  	p0 =	seq.s32 s5, $0x0;
	s5 =	sld [smem:$0x3FAD]  }
0x2b: {  	s6 =	sld [smem:$0x3FAE]  }
0x2c: {  	s7 =	sld [smem:$0x3FAF]  }
0x2d: {  	s3 =	simm.s32 $0x108;
	s8 =	sld [smem:$0x3FB0]  }
0x2e: {  	s3 =	simm.s32 @!p0 $0x1082;
	s9 =	sld [smem:$0x3FB1]  }
0x2f: {  	lr =	sadd.s32 s0, s3;
	s0 =	sld [smem:$0x3FA8]  }
0x30: {  	s3 =	sld [smem:$0x3FAB]  }
0x31: {  	[smem:$0x3FB4] =	sst s10  }
0x32: {  	s10 =	sld [smem:$0x3FB2];
	_ =	sdelay $0x3  }
0x33: {  	p0 =	seq.s32 s10, $0x1;
	s10 =	sld [smem:$0x3FB4];
	_ =	sdelay $0x3  }
0x34: {  	[smem:$0x3FB4] =	sst s10  }
0x35: {  	s10 =	sld [smem:$0x3FB3];
	_ =	sdelay $0x3  }
0x36: {  	p1 =	seq.s32 s10, $0x1;
	s10 =	sld [smem:$0x3FB4];
	_ =	sdelay $0x3  }
0x37: {  	[smem:$0x3FB4] =	sst s10  }
0x38: {  	s10 =	sld [smem:$0x3FB5]  }
0x39: {  	_ = 	snop;
	(pc) =	sbr.ind lr, $3  }
0x3a: {  	_ = 	snop  }
0x3b: {  	_ = 	snop  }
0x3c: {  	p2 =	seq.s32 s10, $0x1;
	s10 =	sld [smem:$0x3FB4]  }
0x3d: {  	_ =	shalt  }
0x3e: {  	_ =	shalt  }
0x3f: {  	_ =	shalt  }
0x40: {  	_ =	shalt  }
0x41: {  	_ =	shalt  }
0x42: {  	_ =	shalt  }
0x43: {  	_ =	shalt  }
0x44: {  	_ =	shalt  }
0x45: {  	_ =	shalt  }
0x46: {  	_ =	shalt  }
0x47: {  	_ =	shalt  }
0x48: {  	_ =	shalt  }
0x49: {  	_ =	shalt  }
0x4a: {  	_ =	shalt  }
0x4b: {  	_ =	shalt  }
0x4c: {  	_ =	shalt  }
0x4d: {  	_ =	shalt  }
0x4e: {  	_ =	shalt  }
0x4f: {  	_ =	shalt  }
0x50: {  	_ =	shalt  }
0x51: {  	_ =	shalt  }
0x52: {  	_ =	shalt  }
0x53: {  	_ =	shalt  }
0x54: {  	_ =	shalt  }
0x55: {  	_ =	shalt  }
0x56: {  	_ =	shalt  }
0x57: {  	_ =	shalt  }
0x58: {  	_ =	shalt  }
0x59: {  	_ =	shalt  }
0x5a: {  	_ =	shalt  }
0x5b: {  	_ =	shalt  }
0x5c: {  	_ =	shalt  }
0x5d: {  	_ =	shalt  }
0x5e: {  	_ =	shalt  }
0x5f: {  	_ =	shalt  }
0x60: {  	_ =	shalt  }
0x61: {  	_ =	shalt  }
0x62: {  	_ =	shalt  }
0x63: {  	_ =	shalt  }
0x64: {  	_ =	shalt  }
0x65: {  	_ =	shalt  }
0x66: {  	_ =	shalt  }
0x67: {  	_ =	shalt  }
0x68: {  	_ =	shalt  }
0x69: {  	_ =	shalt  }
0x6a: {  	_ =	shalt  }
0x6b: {  	_ =	shalt  }
0x6c: {  	_ =	shalt  }
0x6d: {  	_ =	shalt  }
0x6e: {  	_ =	shalt  }
0x6f: {  	_ =	shalt  }
0x70: {  	_ =	shalt  }
0x71: {  	_ =	shalt  }
0x72: {  	_ =	shalt  }
0x73: {  	_ =	shalt  }
0x74: {  	_ =	shalt  }
0x75: {  	_ =	shalt  }
0x76: {  	_ =	shalt  }
0x77: {  	_ =	shalt  }
0x78: {  	_ =	shalt  }
0x79: {  	_ =	shalt  }
0x7a: {  	_ =	shalt  }
0x7b: {  	_ =	shalt  }
0x7c: {  	_ =	shalt  }
0x7d: {  	_ =	shalt  }
0x7e: {  	_ =	shalt  }
0x7f: {  	_ =	shalt  }
0x80: {  	_ =	shalt  }
0x81: {  	_ =	shalt  }
0x82: {  	_ =	shalt  }
0x83: {  	_ =	shalt  }
0x84: {  	_ =	shalt  }
0x85: {  	_ =	shalt  }
0x86: {  	_ =	shalt  }
0x87: {  	_ =	shalt  }
.Lfunc_end0:
.L_simem_size_0:
called_computation_lowered:
.L_overlay_start_0:
0x88: {  	s2 =	sld [smem:$0x3FD9]  }
0x89: {  	s3 =	sld [smem:$0x3FFE];
	_ =	sdelay $0x1  }
0x8a: {  	s1 =	srdreg.scid  }
0x8b: {  	s0 =	sand.u32 $0x1, s1  }
0x8c: {  	s16 =	sshll.u32 s0, $0xA;
	s2 =	sadd.s32 s3, s2  }
0x8d: {  	s2 =	sadd.s32 s2, s16  }
0x8e: {  	[smem:$0x3FC0] =	sst s2  }
0x8f: {  	_ = 	snop  }
0x90: {  	(tm) =	ssettm $0x1  }
0x91: {  	s17 =	sld [smem:$0x3FFB];
	_ =	sdelay $0x3  }
0x92: {  	_ =	strace s17  }
0x93: {  	s2 =	sld [smem:$0x3FFC];
	_ =	sdelay $0x3  }
0x94: {  	_ =	strace s2  }
0x95: {  	s2 =	sld [smem:$0x3FFD];
	_ =	sdelay $0x3  }
0x96: {  	_ =	strace s2  }
0x97: {  	_ =	strace $0x8FFFFFFF  }
0x98: {  	s18 =	sld [smem:$0x3FDB];
	_ =	sdelay $0x1  }
0x99: {  	s19 =	simm.s32 $_scs_section_size  }
0x9a: {  	s4 =	simm.s32 $_size__tile_overlayer_lowered;
	s5 =	simm.s32 $_tile_overlayer_lowered  }
0x9b: {  	s22 =	simm.s32 $0x1BFF;
	s21 =	sshll.u32 s5, $0x1;
	s2 =	sadd.s32 s19, s18  }
0x9c: {  	s6 =	simm.s32 $0x0;
	s20 =	sshll.u32 s4, $0x1;
	s4 =	sadd.s32 s21, s2  }
0x9d: {  	[timem:s6], [sflag:s22] =	dma.local [hbm:s4], s20  }
0x9e: {  	_ =	swait.ge [sflag:s22], s20  }
0x9f: {  	s3 =	ssub.s32 $0x0, s20;
	[sflag:s22] =	ssyncset.done $0x0  }
0xa0: {  	[sflag:s22] =	ssyncadd.s32 s3;
	_ =	sdelay $0x1  }
0xa1: {  	s23 =	simm.s32 $0x1B8B  }
0xa2: {  	_ =	swait.ge [sflag:s23], $0x1  }
0xa3: {  	[sflag:s23] =	ssyncset.done $0x0  }
0xa4: {  	s25 =	simm.s32 $0x1B8E;
	s24 =	sld [smem:$0x3FFE];
	[sflag:s23] =	ssyncadd.s32 $0xFFFFFFFF  }
0xa5: {  	s26 =	simm.s32 $execute0_lowered;
	[smem:$0x3FD2] =	sst s25  }
0xa6: {  	s4 =	sshll.u32 s26, $0x1;
	_ =	strace $0x80000046;
	[dreg:$0x1] =	wrdreg $0xFFFFFFFF  }
0xa7: {  	s28 =	simm.s32 $_size_execute0_lowered;
	s2 =	sadd.s32 s2, s4;
	[dreg:$0x0] =	wrdreg $0x0  }
0xa8: {  	s4 =	sshll.u32 s28, $0x1;
	[dreg:$0x2] =	wrdreg s2  }
0xa9: {  	[dreg:$0x3] =	wrdreg s4  }
0xaa: {  	[dreg:$0x4] =	wrdreg $0xC0  }
0xab: {  	_ =	task [dreg:s6], $0x5FFFF  }
0xac: {  	[dreg:$0x1] =	wrdreg $0xFFFFFFFF  }
0xad: {  	[dreg:$0x0] =	wrdreg $0x60  }
0xae: {  	[dreg:$0x2] =	wrdreg s24  }
0xaf: {  	[dreg:$0x3] =	wrdreg $0xA0000  }
0xb0: {  	[dreg:$0x4] =	wrdreg $0x9  }
0xb1: {  	_ =	task.clear_ibuf [dreg:s6], $0x5FFFF;
	_ =	strace $0x90000046  }
0xb2: {  	s29 =	simm.s32 $0x9;
	_ =	strace $0x80000048  }
0xb3: {  	_ =	swait.ge [sflag:s29], $0x1  }
0xb4: {  	[sflag:s29] =	ssyncadd.s32 $0xFFFFFFFF  }
0xb5: {  	_ =	strace $0x90000048  }
0xb6: {  	_ =	sfence  }
0xb7: {  	s30 =	sld [smem:$0x0];
	_ =	sdelay $0x2  }
0xb8: {  	s31 =	sshll.u32 s1, $0xD;
	s1 =	sshrl.u32 s1, $0x2  }
0xb9: {  	s3 =	sand.u32 $0x4000, s31;
	s1 =	sadd.s32 s1, s30  }
0xba: {  	s0 =	sor.u32 s3, s0;
	s1 =	sshll.u32 s1, $0x11  }
0xbb: {  	s0 =	sor.u32 s1, s0  }
0xbc: {  	s0 =	sadd.s32 $0x8F2B, s0  }
0xbd: {  	[sflag:s0] =	ssyncadd.remote.s32 $0x1  }
0xbe: {  	_ =	sfence.sel $0xFFFF  }
0xbf: {  	[dreg:$0x0] =	wrdreg $0xFFFFFFFF;
	(pc) =	sbr.abs _section_cstart, $3  }
0xc0: {  	[dreg:$0x1] =	wrdreg $0xFFFFFFFF  }
0xc1: {  	_ =	task.clear_ibuf [dreg:s6], $0x2FFFF;
	_ =	strace $0x9FFFFFFF  }
0xc2: {  	(tm) =	ssettm $0x7FFFFFFF  }
0xc3: {  	_ =	shalt  }
tec
execute0_lowered:
.L_overlay_start_1:
0x0: {  	(tag) =	ssettag $0x1  }
0x1: {  	s4 =	rddreg [dreg:$0x0]  }
0x2: {  	s1 =	rddreg [dreg:$0x1]  }
0x3: {  	s0 =	rddreg [dreg:$0x2]  }
0x4: {  	s3 =	simm.s32 $0x0;
	s2 =	srdreg.scid;
	s13 =	simm.s32 $0x11A18  }
0x5: {  	s14 =	simm.s32 $0x70;
	s16 =	simm.s32 $0x8000;
	s17 =	simm.s32 $0x0  }
0x6: {  	[smem:$0x7FF] =	sst s3;
	s7 =	sand.u32 $0x1, s2;
	s2 =	stileid.u32  }
0x7: {  	s8 =	sadd.s32 $0x9000, s4;
	s15 =	smul.u32 $0x7A120, s7;
	_ =	strace $0x80000047  }
0x8: {  	s5 =	sshll.u32 s2, $0xB;
	s6 =	smul.u32 $0x7A10, s2;
	s9 =	ssub.s32 $0x2, s7  }
0x9: {  	s10 =	sshll.u32 s2, $0xA;
	s31 =	sshll.u32 s7, $0xE;
	s7 =	sadd.s32 $0x7A120, s1  }
0xa: {  	p0 =	seq.s32 s2, $0x0;
	s5 =	sadd.s32 s5, s4;
	s11 =	sshrl.u32 s9, $0x1  }
0xb: {  	s10 =	sadd.s32 s10, s4;
	p1 =	sne.s32 @!p0 s2, $0xF;
	s12 =	sadd.s32 s6, s15  }
0xc: {  	s11 =	ssub.s32 s9, s11;
	s4 =	sadd.s32 $0x1000, s5;
	s30 =	sshrl.u32 s15, $0x3  }
0xd: {  	s6 =	sadd.s32 s6, s1;
	s10 =	sadd.s32 s31, s10;
	s9 =	sadd.s32 $0x7A100, s1  }
0xe: {  	p1 =	por p1, p0;
	v0 =	vmov s15;
	s15 =	simm.s32 $0x1;
	s29 =	sshrl.u32 s12, $0x3  }
0xf: {  	s10 =	sadd.s32 $0x27A00, s10;
	s5 =	sadd.s32 s8, s29;
	s8 =	sadd.s32 s8, s30  }
0x10: {  	s11 =	smax.u32 s11, $0x1;
	s12 =	simm.s32 $0x2;
	s8 =	sadd.s32 $0xF420, s8  }
.LBB2_1:
0x11: {  	[tilespmem:s3], [sflag:$0x2] =	stream.linear.gather [hbm4b:s4+s3], $0x4000, $0x38;
	[tilespmem:$0x19498] =	vst v63  }
0x12: {  	_ =	swait.ge [sflag:s12], $0x4000  }
0x13: {  	[sflag:s12] =	ssyncset.done $0x0  }
0x14: {  	[sflag:s12] =	ssyncadd.s32 $0xFFFFC000  }
0x15: {  	[tilespmem:s13], [sflag:$0x2] =	stream.linear.gather [hbm4b:s5+s3], $0x7A10, $0x38;
	[tilespmem:$0x19498] =	vst v63  }
0x16: {  	_ =	swait.ge [sflag:s12], $0x7A10  }
0x17: {  	[sflag:s12] =	ssyncset.done $0x0  }
0x18: {  	[sflag:s12] =	ssyncadd.s32 $0xFFFF85F0  }
0x19: {  	[spmem:s6] =	stream.linear.scatter [tilespmem:s13], [sflag:$0x2], $0x7A10, $0x38;
	[tilespmem:$0x19498] =	vst v63  }
0x1a: {  	_ =	swait.ge [sflag:s12], $0x7A10  }
0x1b: {  	[sflag:s12] =	ssyncset.done $0x0  }
0x1c: {  	v1 =	vimm.s32 @p0 $0x0;
	[sflag:s12] =	ssyncadd.s32 $0xFFFF85F0  }
0x1d: {  	s18 =	simm.s32 @p0 $0x11A18;
	[tilespmem:$0x11A18] =	vst @p0 v1  }
0x1e: {  	[spmem:s7] =	stream.linear.scatter @p0 [tilespmem:s18], [sflag:$0x2], $0x8, $0x38;
	[tilespmem:$0x19498] =	vst v63  }
0x1f: {  	s18 =	simm.s32 @p0 $0x2  }
0x20: {  	_ =	swait.ge @p0 [sflag:s18], $0x8  }
0x21: {  	[sflag:s18] =	ssyncset.done @p0 $0x0  }
0x22: {  	s19 =	simm.s32 @!p1 $0x11A18;
	[sflag:s18] =	ssyncadd.s32 @p0 $0xFFFFFFF8;
	s18 =	simm.s32 @!p1 $0x0  }
0x23: {  	[tilespmem:s19], [sflag:$0x2] =	stream.linear.gather @!p1 [hbm4b:s8+s18], $0x20, $0x38;
	[tilespmem:$0x19498] =	vst v63  }
0x24: {  	s18 =	simm.s32 @!p1 $0x2  }
0x25: {  	_ =	swait.ge @!p1 [sflag:s18], $0x20  }
0x26: {  	[sflag:s18] =	ssyncset.done @!p1 $0x0  }
0x27: {  	[sflag:s18] =	ssyncadd.s32 @!p1 $0xFFFFFFE0  }
0x28: {  	[spmem:s9] =	stream.linear.scatter @!p1 [tilespmem:s19], [sflag:$0x2], $0x20, $0x38;
	[tilespmem:$0x19498] =	vst v63  }
0x29: {  	_ =	swait.ge @!p1 [sflag:s18], $0x20  }
0x2a: {  	[sflag:s18] =	ssyncset.done @!p1 $0x0  }
0x2b: {  	[sflag:s18] =	ssyncadd.s32 @!p1 $0xFFFFFFE0;
	s18 =	simm.s32 $0x0  }
0x2c: {  	v1 =	vld [tilespmem:s18+$0x0]  }
0x2d: {  	v2 =	vld [tilespmem:s18+$0x10]  }
0x2e: {  	v3 =	vld [tilespmem:s18+$0x20]  }
0x2f: {  	v4 =	vld [tilespmem:s18+$0x30]  }
0x30: {  	v5 =	vld [tilespmem:s18+$0x40]  }
0x31: {  	v6 =	vld [tilespmem:s18+$0x50];
	v1 =	vsub.s32 v1, v0  }
0x32: {  	v7 =	vld [tilespmem:s18+$0x60];
	v2 =	vsub.s32 v2, v0;
	v1 =	vmin.u32 v1, $0x7A120  }
0x33: {  	v8 =	vld [tilespmem:s18+$0x80];
	[tilespmem:s18+$0x0] =	vst v1;
	v1 =	vmin.u32 v2, $0x7A120;
	v2 =	vsub.s32 v3, v0  }
0x34: {  	v3 =	vsub.s32 v4, v0;
	[tilespmem:s18+$0x10] =	vst v1;
	v1 =	vmin.u32 v2, $0x7A120;
	v2 =	vld [tilespmem:s18+$0x90]  }
0x35: {  	v4 =	vsub.s32 v5, v0;
	v3 =	vmin.u32 v3, $0x7A120;
	[tilespmem:s18+$0x20] =	vst v1;
	v1 =	vld [tilespmem:s18+$0xA0]  }
0x36: {  	v5 =	vsub.s32 v6, v0;
	v4 =	vmin.u32 v4, $0x7A120;
	[tilespmem:s18+$0x30] =	vst v3;
	v3 =	vld [tilespmem:s18+$0xB0]  }
0x37: {  	v6 =	vsub.s32 v7, v0;
	v5 =	vmin.u32 v5, $0x7A120;
	[tilespmem:s18+$0x40] =	vst v4;
	v4 =	vld [tilespmem:s18+$0xC0]  }
0x38: {  	s19 =	simm.s32 $0x400;
	v7 =	vsub.s32 v8, v0;
	v6 =	vmin.u32 v6, $0x7A120;
	[tilespmem:s18+$0x50] =	vst v5;
	v5 =	vld [tilespmem:s18+$0xD0]  }
.LBB2_2:
0x39: {  	s20 =	sshra.s32 s19, $0x2;
	p2 =	sne.s32 s19, $0xFC00;
	[tilespmem:s18+$0x60] =	vst v6;
	v6 =	vmin.u32 v7, $0x7A120;
	v2 =	vsub.s32 v2, v0;
	v7 =	vld [tilespmem:s18+$0xE0]  }
0x3a: {  	v8 =	vld [tilespmem:s20+$0x0];
	[tilespmem:s18+$0x80] =	vst v6;
	v2 =	vmin.u32 v2, $0x7A120;
	v1 =	vsub.s32 v1, v0  }
0x3b: {  	v6 =	vld [tilespmem:s20+$0x10];
	[tilespmem:s18+$0x90] =	vst v2;
	v1 =	vmin.u32 v1, $0x7A120;
	v2 =	vsub.s32 v3, v0  }
0x3c: {  	v3 =	vld [tilespmem:s20+$0x20];
	[tilespmem:s18+$0xA0] =	vst v1;
	v1 =	vmin.u32 v2, $0x7A120;
	v2 =	vsub.s32 v4, v0  }
0x3d: {  	v4 =	vld [tilespmem:s20+$0x30];
	[tilespmem:s18+$0xB0] =	vst v1;
	v1 =	vmin.u32 v2, $0x7A120;
	v2 =	vsub.s32 v5, v0  }
0x3e: {  	v5 =	vld [tilespmem:s20+$0x40];
	[tilespmem:s18+$0xC0] =	vst v1;
	v1 =	vmin.u32 v2, $0x7A120;
	v2 =	vsub.s32 v7, v0  }
0x3f: {  	v7 =	vsub.s32 v8, v0;
	v8 =	vld [tilespmem:s20+$0x50];
	[tilespmem:s18+$0xD0] =	vst v1;
	v1 =	vmin.u32 v2, $0x7A120  }
0x40: {  	v2 =	vmin.u32 v7, $0x7A120;
	v6 =	vsub.s32 v6, v0;
	v7 =	vld [tilespmem:s20+$0x60];
	[tilespmem:s18+$0xE0] =	vst v1;
	s18 =	smov.u32 s20  }
0x41: {  	[tilespmem:s18+$0x0] =	vst v2;
	v1 =	vmin.u32 v6, $0x7A120;
	v2 =	vsub.s32 v3, v0;
	v9 =	vld [tilespmem:s18+$0x80]  }
.Ltmp0:
0x42: {  	[tilespmem:s18+$0x10] =	vst v1;
	v1 =	vmin.u32 v2, $0x7A120;
	v3 =	vsub.s32 v4, v0;
	v2 =	vld [tilespmem:s18+$0x90];
	(pc) =	sbr.rel @p2 .LBB2_2-.Ltmp0, $4  }
0x43: {  	[tilespmem:s18+$0x20] =	vst v1;
	v3 =	vmin.u32 v3, $0x7A120;
	v4 =	vsub.s32 v5, v0;
	v1 =	vld [tilespmem:s18+$0xA0]  }
0x44: {  	[tilespmem:s18+$0x30] =	vst v3;
	v4 =	vmin.u32 v4, $0x7A120;
	v5 =	vsub.s32 v8, v0;
	v3 =	vld [tilespmem:s18+$0xB0]  }
0x45: {  	[tilespmem:s18+$0x40] =	vst v4;
	v5 =	vmin.u32 v5, $0x7A120;
	v6 =	vsub.s32 v7, v0;
	v4 =	vld [tilespmem:s18+$0xC0]  }
0x46: {  	s19 =	sadd.s32 $0x400, s19;
	[tilespmem:s18+$0x50] =	vst v5;
	v6 =	vmin.u32 v6, $0x7A120;
	v7 =	vsub.s32 v9, v0;
	v5 =	vld [tilespmem:s18+$0xD0]  }
0x47: {  	[tilespmem:s18+$0x60] =	vst v6;
	v62 =	vmin.u32 v7, $0x7A120;
	v2 =	vsub.s32 v2, v0;
	v63 =	vld [tilespmem:s18+$0xE0]  }
0x48: {  	[tilespmem:s18+$0x80] =	vst v62;
	v2 =	vmin.u32 v2, $0x7A120;
	v1 =	vsub.s32 v1, v0  }
0x49: {  	[tilespmem:s18+$0x90] =	vst v2;
	v1 =	vmin.u32 v1, $0x7A120;
	v2 =	vsub.s32 v3, v0  }
0x4a: {  	[tilespmem:s18+$0xA0] =	vst v1;
	v1 =	vmin.u32 v2, $0x7A120;
	v2 =	vsub.s32 v4, v0  }
0x4b: {  	[tilespmem:s18+$0xB0] =	vst v1;
	v1 =	vmin.u32 v2, $0x7A120;
	v2 =	vsub.s32 v5, v0  }
0x4c: {  	[tilespmem:s18+$0xC0] =	vst v1;
	v1 =	vmin.u32 v2, $0x7A120;
	v2 =	vsub.s32 v63, v0  }
0x4d: {  	[tilespmem:s18+$0xD0] =	vst v1;
	v1 =	vmin.u32 v2, $0x7A120  }
0x4e: {  	[tilespmem:s18+$0xE0] =	vst v1  }
0x4f: {  	s31 =	simm.s32 $0x0;
	s19 =	simm.s32 $0x4000;
	[bflag:$0x0] =	sbarrier.arrive $0xFFFF  }
0x50: {  	[tilespmem:s19], [sflag:$0x1] =	stream.indirect.gather [spmem:s1], $0x1, s31, s14, $0xb8;
	[tilespmem:$0x19498] =	vst v63  }
0x51: {  	s20 =	simm.s32 $0x80;
	s18 =	simm.s32 $0x400;
	s19 =	simm.s32 $0x4080  }
.LBB2_4:
0x52: {  	[tilespmem:s19], [sflag:$0x1] =	stream.indirect.gather [spmem:s1], $0x1, s20, s14, $0xb8;
	[tilespmem:$0x19498] =	vst v63  }
0x53: {  	s19 =	smov.u32 s18;
	p2 =	sne.s32 s18, $0xFC00  }
.Ltmp1:
0x54: {  	s18 =	sadd.s32 $0x400, s18;
	(pc) =	sbr.rel @p2 .LBB2_4-.Ltmp1, $4  }
0x55: {  	s20 =	sshra.s32 s19, $0x2  }
0x56: {  	s19 =	sadd.s32 $0x4000, s20  }
0x57: {  	[tilespmem:s19], [sflag:$0x1] =	stream.indirect.gather [spmem:s1], $0x1, s20, s14, $0xb8;
	[tilespmem:$0x19498] =	vst v63  }
0x58: {  	s19 =	sadd.s32 $0x4080, s20;
	s20 =	sadd.s32 $0x80, s20  }
0x59: {  	[tilespmem:s19], [sflag:$0x1] =	stream.indirect.gather [spmem:s1], $0x1, s20, s14, $0xb8;
	[tilespmem:$0x19498] =	vst v63  }
0x5a: {  	_ =	swait.ge [sflag:s15], $0x70  }
0x5b: {  	[sflag:s15] =	ssyncset.done $0x0  }
0x5c: {  	[sflag:s15] =	ssyncadd.s32 $0xFFFFFF90  }
0x5d: {  	_ =	swait.ge [sflag:s15], $0x70  }
0x5e: {  	s18 =	simm.s32 $0x3F;
	[sflag:s15] =	ssyncset.done $0x0  }
.LBB2_6:
0x5f: {  	p2 =	sne.s32 s18, $0x1;
	s18 =	sadd.s32 $0xFFFFFFFF, s18;
	[sflag:s15] =	ssyncadd.s32 $0xFFFFFF90  }
.Ltmp2:
0x60: {  	_ =	swait.ge [sflag:s15], $0x70;
	(pc) =	sbr.rel @p2 .LBB2_6-.Ltmp2, $4  }
0x61: {  	[sflag:s15] =	ssyncset.done $0x0  }
0x62: {  	[sflag:s15] =	ssyncadd.s32 $0xFFFFFF90  }
0x63: {  	_ =	swait.ge [sflag:s15], $0x70  }
0x64: {  	[sflag:s15] =	ssyncset.done $0x0  }
0x65: {  	[sflag:s15] =	ssyncadd.s32 $0xFFFFFF90;
	s19 =	simm.s32 $0x4080  }
0x66: {  	s18 =	simm.s32 $0x0;
	s20 =	simm.s32 $0x200;
	v1 =	vld [tilespmem:s19+$0xFFFFFF80]  }
.LBB2_8:
0x67: {  	p2 =	sne.s32 s20, $0x7E00;
	v2 =	vld [tilespmem:s19+$0xFFFFFFA0]  }
0x68: {  	v3 =	vld [tilespmem:s19+$0xFFFFFF90]  }
0x69: {  	v4 =	vld [tilespmem:s19+$0xFFFFFFB0]  }
0x6a: {  	v5 =	vld [tilespmem:s19+$0xFFFFFFC0]  }
0x6b: {  	v6 =	vshll.u32 v1, $0x10;
	v1 =	vand.u32 $0xFFFF0000, v1;
	v7 =	vld [tilespmem:s19+$0xFFFFFFD0]  }
0x6c: {  	v6 =	vadd.f32 $0.0e+00, v6;
	v1 =	vadd.f32 $0.0e+00, v1;
	v8 =	vld [tilespmem:s19+$0xFFFFFFE0]  }
0x6d: {  	v9 =	vshll.u32 v3, $0x10;
	v3 =	vand.u32 $0xFFFF0000, v3;
	v10 =	vld [tilespmem:s19+$0x0]  }
0x6e: {  	v6 =	vadd.f32 v9, v6;
	v1 =	vadd.f32 v3, v1;
	v3 =	vld [tilespmem:s19+$0x10]  }
0x6f: {  	v9 =	vshll.u32 v2, $0x10;
	v2 =	vand.u32 $0xFFFF0000, v2;
	v11 =	vld [tilespmem:s19+$0x20]  }
0x70: {  	v6 =	vadd.f32 v9, v6;
	v1 =	vadd.f32 v2, v1;
	v2 =	vld [tilespmem:s19+$0x30]  }
0x71: {  	v9 =	vshll.u32 v4, $0x10;
	v4 =	vand.u32 $0xFFFF0000, v4;
	v12 =	vld [tilespmem:s19+$0x40]  }
0x72: {  	v6 =	vadd.f32 v9, v6;
	v1 =	vadd.f32 v4, v1;
	v4 =	vld [tilespmem:s19+$0x50]  }
0x73: {  	v9 =	vshll.u32 v5, $0x10;
	v5 =	vand.u32 $0xFFFF0000, v5;
	v13 =	vld [tilespmem:s19+$0x60]  }
0x74: {  	v6 =	vadd.f32 v9, v6;
	v1 =	vadd.f32 v5, v1  }
0x75: {  	v5 =	vshll.u32 v7, $0x10;
	v7 =	vand.u32 $0xFFFF0000, v7  }
0x76: {  	v5 =	vadd.f32 v5, v6;
	v1 =	vadd.f32 v7, v1  }
0x77: {  	v6 =	vshll.u32 v8, $0x10;
	v7 =	vand.u32 $0xFFFF0000, v8  }
0x78: {  	v5 =	vadd.f32 v6, v5;
	v1 =	vadd.f32 v7, v1  }
0x79: {  	v6 =	vshll.u32 v10, $0x10;
	v7 =	vand.u32 $0xFFFF0000, v10  }
0x7a: {  	v5 =	vadd.f32 v6, v5;
	v1 =	vadd.f32 v7, v1  }
0x7b: {  	v6 =	vshll.u32 v3, $0x10;
	v3 =	vand.u32 $0xFFFF0000, v3  }
0x7c: {  	v5 =	vadd.f32 v6, v5;
	v1 =	vadd.f32 v3, v1  }
0x7d: {  	v3 =	vshll.u32 v11, $0x10;
	v6 =	vand.u32 $0xFFFF0000, v11  }
0x7e: {  	v3 =	vadd.f32 v3, v5;
	v1 =	vadd.f32 v6, v1  }
0x7f: {  	v5 =	vshll.u32 v2, $0x10;
	v2 =	vand.u32 $0xFFFF0000, v2  }
0x80: {  	v3 =	vadd.f32 v5, v3;
	v1 =	vadd.f32 v2, v1  }
0x81: {  	v2 =	vshll.u32 v12, $0x10;
	v5 =	vand.u32 $0xFFFF0000, v12  }
0x82: {  	v2 =	vadd.f32 v2, v3;
	v1 =	vadd.f32 v5, v1  }
0x83: {  	v3 =	vshll.u32 v4, $0x10;
	v4 =	vand.u32 $0xFFFF0000, v4  }
0x84: {  	v2 =	vadd.f32 v3, v2;
	v1 =	vadd.f32 v4, v1  }
0x85: {  	v3 =	vshll.u32 v13, $0x10;
	v4 =	vand.u32 $0xFFFF0000, v13  }
.Ltmp3:
0x86: {  	v2 =	vadd.f32 v3, v2;
	v1 =	vadd.f32 v4, v1;
	(pc) =	sbr.rel @p2 .LBB2_8-.Ltmp3, $4  }
0x87: {  	s21 =	sshra.s32 s18, $0x2;
	s18 =	smov.u32 s20  }
0x88: {  	[tilespmem:s21+$0x8010] =	vst v1  }
0x89: {  	s19 =	sadd.s32 $0x100, s19;
	[tilespmem:s21+$0x8000] =	vst v2  }
0x8a: {  	s20 =	sadd.s32 $0x200, s20;
	v1 =	vld [tilespmem:s19+$0xFFFFFF80]  }
0x8b: {  	_ = 	snop  }
0x8c: {  	v2 =	vld [tilespmem:s19+$0xFFFFFF90];
	_ =	sdelay $0x1  }
0x8d: {  	v3 =	vld [tilespmem:s19+$0xFFFFFFA0]  }
0x8e: {  	v4 =	vand.u32 $0xFFFF0000, v1  }
0x8f: {  	v5 =	vld [tilespmem:s19+$0xFFFFFFB0];
	v1 =	vshll.u32 v1, $0x10;
	v4 =	vadd.f32 $0.0e+00, v4  }
0x90: {  	v1 =	vadd.f32 $0.0e+00, v1;
	v6 =	vand.u32 $0xFFFF0000, v2  }
0x91: {  	v7 =	vld [tilespmem:s19+$0xFFFFFFC0];
	v2 =	vshll.u32 v2, $0x10;
	v4 =	vadd.f32 v6, v4  }
0x92: {  	v1 =	vadd.f32 v2, v1;
	v2 =	vand.u32 $0xFFFF0000, v3  }
0x93: {  	v52 =	vld [tilespmem:s19+$0xFFFFFFD0];
	v3 =	vshll.u32 v3, $0x10;
	v2 =	vadd.f32 v2, v4  }
0x94: {  	v1 =	vadd.f32 v3, v1;
	v3 =	vand.u32 $0xFFFF0000, v5  }
0x95: {  	v53 =	vld [tilespmem:s19+$0xFFFFFFE0];
	v5 =	vshll.u32 v5, $0x10;
	v2 =	vadd.f32 v3, v2  }
0x96: {  	v1 =	vadd.f32 v5, v1;
	v3 =	vand.u32 $0xFFFF0000, v7  }
0x97: {  	v54 =	vld [tilespmem:s19+$0x0];
	v7 =	vshll.u32 v7, $0x10;
	v2 =	vadd.f32 v3, v2  }
0x98: {  	v1 =	vadd.f32 v7, v1;
	v3 =	vand.u32 $0xFFFF0000, v52  }
0x99: {  	v55 =	vld [tilespmem:s19+$0x10];
	v6 =	vshll.u32 v52, $0x10;
	v2 =	vadd.f32 v3, v2  }
0x9a: {  	v1 =	vadd.f32 v6, v1;
	v3 =	vand.u32 $0xFFFF0000, v53  }
0x9b: {  	v56 =	vld [tilespmem:s19+$0x20];
	v4 =	vshll.u32 v53, $0x10;
	v2 =	vadd.f32 v3, v2  }
0x9c: {  	v1 =	vadd.f32 v4, v1;
	v3 =	vand.u32 $0xFFFF0000, v54  }
0x9d: {  	v57 =	vld [tilespmem:s19+$0x30];
	v5 =	vshll.u32 v54, $0x10;
	v2 =	vadd.f32 v3, v2  }
0x9e: {  	v1 =	vadd.f32 v5, v1;
	v3 =	vand.u32 $0xFFFF0000, v55  }
0x9f: {  	v58 =	vld [tilespmem:s19+$0x40];
	v7 =	vshll.u32 v55, $0x10;
	v2 =	vadd.f32 v3, v2  }
0xa0: {  	v1 =	vadd.f32 v7, v1;
	v3 =	vand.u32 $0xFFFF0000, v56  }
0xa1: {  	v59 =	vld [tilespmem:s19+$0x50];
	v6 =	vshll.u32 v56, $0x10;
	v2 =	vadd.f32 v3, v2  }
0xa2: {  	v1 =	vadd.f32 v6, v1;
	v3 =	vand.u32 $0xFFFF0000, v57  }
0xa3: {  	v60 =	vld [tilespmem:s19+$0x60];
	v4 =	vshll.u32 v57, $0x10;
	v2 =	vadd.f32 v3, v2  }
0xa4: {  	v1 =	vadd.f32 v4, v1;
	v3 =	vand.u32 $0xFFFF0000, v58  }
0xa5: {  	v61 =	vshll.u32 v58, $0x10;
	v2 =	vadd.f32 v3, v2  }
0xa6: {  	v1 =	vadd.f32 v61, v1;
	v3 =	vand.u32 $0xFFFF0000, v59  }
0xa7: {  	v62 =	vshll.u32 v59, $0x10;
	v2 =	vadd.f32 v3, v2  }
0xa8: {  	v1 =	vadd.f32 v62, v1;
	v3 =	vand.u32 $0xFFFF0000, v60  }
0xa9: {  	v63 =	vshll.u32 v60, $0x10;
	v2 =	vadd.f32 v3, v2  }
0xaa: {  	s18 =	sshra.s32 s18, $0x2;
	s17 =	sadd.s32 $0x1, s17;
	v1 =	vadd.f32 v63, v1  }
0xab: {  	p2 =	sne.s32 s17, s11;
	[tilespmem:s18+$0x8010] =	vst v2  }
.Ltmp4:
0xac: {  	[tilespmem:s18+$0x8000] =	vst v1;
	(pc) =	sbr.rel @p2 .LBB2_1-.Ltmp4, $4  }
0xad: {  	[hbm4b:s10+s3] =	stream.linear.scatter [tilespmem:s16], [sflag:$0x2], $0x2000, $0x38;
	[tilespmem:$0x19498] =	vst v63  }
0xae: {  	_ =	swait.ge [sflag:s12], $0x2000  }
0xaf: {  	[sflag:s12] =	ssyncset.done $0x0  }
0xb0: {  	[sflag:s12] =	ssyncadd.s32 $0xFFFFE000  }
0xb1: {  	_ =	sfence.sel $0x180000  }
0xb2: {  	[bflag:$0x0] =	sbarrier.arrive $0xFFFF  }
0xb3: {  	p0 =	sne.s32 s2, $0x0;
	_ =	strace $0x90000047  }
0xb4: {  	s0 =	sadd.s32 @!p0 $0x100000, s0;
	[bflag:$0x2] =	sbarrier.arrive $0xFFFF  }
0xb5: {  	[sflag:s0] =	ssyncadd.tile.s32 @!p0 $0x1;
	_ =	shalt  }
.Lfunc_end2:
_tile_overlayer_lowered:
.L_overlay_start_2:
0xb6: {  	(tag) =	ssettag $0x2  }
0xb7: {  	s0 =	rddreg [dreg:$0x0];
	s2 =	stileid.u32  }
0xb8: {  	s1 =	rddreg [dreg:$0x1];
	p0 =	sne.s32 s2, $0x0  }
0xb9: {  	s3 =	rddreg [dreg:$0x2];
	[bflag:$0x3] =	sbarrier.arrive $0xFFFF;
	s2 =	simm.s32 @!p0 $0x1C02  }
0xba: {  	[timem:s3], [sflag:s2] =	dma.local @!p0 [hbm:s0], s1  }
0xbb: {  	s0 =	simm.s32 @!p0 $0x2  }
0xbc: {  	_ =	swait.ge @!p0 [sflag:s0], s1  }
0xbd: {  	s1 =	ssub.s32 @!p0 $0x0, s1;
	[sflag:s0] =	ssyncset.done @!p0 $0x0  }
0xbe: {  	[sflag:s0] =	ssyncadd.s32 @!p0 s1  }
0xbf: {  	[bflag:$0x3] =	sbarrier.arrive $0xFFFF  }
0xc0: {  	_ =	shalt  }

</sc_bundles>
